<compile_context>
chip_gen: v7x
topology: tpu7x:2x2x1
jax: 0.10.2.dev20260603
libtpu: 0.0.44.dev20260713+nightly
codegen_flags: <defaults>
</compile_context>

<pallas_src>
import functools

import jax
import jax.numpy as jnp
from jax import lax
from jax.experimental import pallas as pl
from jax.experimental.pallas import tpu as pltpu
from jax.experimental.pallas import tpu_sc as plsc

B = 16384
EMB = 32
HID = 128
V = 100000
NT = 5

NC = 2
NS = 16
NW = NC * NS
RW = B // NW
CHUNK = 128
NCH = RW // CHUNK

CB = 8192
NBLK = (V + CB - 1) // CB


def _project_body(t0, t1, t2, t3, t4, w_ref, b_ref, o_ref):
    tabs = (t0, t1, t2, t3, t4)
    for t in range(NT):
        p = lax.dot_general(
            tabs[t][...].astype(jnp.bfloat16),
            w_ref[t].astype(jnp.bfloat16),
            (((0,), (0,)), ((), ())),
            preferred_element_type=jnp.float32,
        )
        if t == 0:
            p = p + b_ref[...]
        o_ref[t] = p


def _tc_project(tabsT, Wr, b2):
    return pl.pallas_call(
        _project_body,
        grid=(NBLK,),
        in_specs=[pl.BlockSpec((EMB, CB), lambda i: (0, i)) for _ in range(NT)]
        + [
            pl.BlockSpec((NT, EMB, HID), lambda i: (0, 0, 0)),
            pl.BlockSpec((1, HID), lambda i: (0, 0)),
        ],
        out_specs=pl.BlockSpec((NT, CB, HID), lambda i: (0, i, 0)),
        out_shape=jax.ShapeDtypeStruct((NT, V, HID), jnp.float32),
        compiler_params=pltpu.CompilerParams(vmem_limit_bytes=100 * 1024 * 1024),
    )(*tabsT, Wr, b2)


def _sc_gather_body(idx_hbm, p_hbm, out_hbm, idx_v, acc_v, s0, s1, s2, s3, sw):
    c = lax.axis_index("c")
    s = lax.axis_index("s")
    wid = s * NC + c
    sems = (s0, s1, s2, s3)

    pltpu.sync_copy(idx_hbm.at[pl.ds(wid * NT * NCH, NT * NCH)], idx_v)

    def chunk_dst(j):
        return acc_v.at[pl.ds(j * CHUNK, CHUNK)]

    base_h = [
        pltpu.async_copy(p_hbm.at[idx_v.at[j]], chunk_dst(j), sems[j])
        for j in range(NCH)
    ]
    add_h = []
    for j in range(NCH):
        base_h[j].wait()
        add_h.append([
            pltpu.async_copy(
                p_hbm.at[idx_v.at[t * NCH + j]], chunk_dst(j), sems[j], add=True
            )
            for t in range(1, NT)
        ])
    out_h = []
    for j in range(NCH):
        for h in add_h[j]:
            h.wait()
        out_h.append(
            pltpu.async_copy(
                acc_v.at[pl.ds(j * CHUNK, CHUNK)],
                out_hbm.at[pl.ds(wid * RW + j * CHUNK, CHUNK)],
                sw,
            )
        )
    for h in out_h:
        h.wait()


def _sc_gather_add(idx2, P2):
    mesh = plsc.VectorSubcoreMesh(core_axis_name="c", subcore_axis_name="s")
    kfn = functools.partial(
        pl.kernel,
        out_type=jax.ShapeDtypeStruct((B, HID), jnp.float32),
        mesh=mesh,
        scratch_types=[
            pltpu.VMEM((NT * NCH, CHUNK), jnp.int32),
            pltpu.VMEM((RW, HID), jnp.float32),
            pltpu.SemaphoreType.DMA,
            pltpu.SemaphoreType.DMA,
            pltpu.SemaphoreType.DMA,
            pltpu.SemaphoreType.DMA,
            pltpu.SemaphoreType.DMA,
        ],
        compiler_params=pltpu.CompilerParams(use_tc_tiling_on_sc=False),
    )(_sc_gather_body)
    return kfn(idx2, P2)


def kernel(batch_seq_cat, lanes_tab, maxspeed_tab, length_tab, lon_tab, lat_tab, W, b):
    idx5 = batch_seq_cat[:, 1:6].astype(jnp.int32) + jnp.arange(NT, dtype=jnp.int32)[None, :] * V
    idx2 = (
        idx5.reshape(NW, RW, NT)
        .transpose(0, 2, 1)
        .reshape(NW * NT * NCH, CHUNK)
    )
    tabsT = [t.T for t in (lanes_tab, maxspeed_tab, length_tab, lon_tab, lat_tab)]
    Wr = W.reshape(HID, NT, EMB).transpose(1, 2, 0)
    P = _tc_project(tabsT, Wr, b.reshape(1, HID))
    P2 = P.reshape(NT * V, HID)
    return _sc_gather_add(idx2, P2)

# --- scband reference (transcript-rebuilt; emitter-appended) ---
"""Pipeline reference for scband-road-embedding-39187281608851 (READ-ONLY COPY).

The authoritative reference and input builder live on the scoring server;
editing this copy changes nothing except your own understanding.
"""

import jax, jax.numpy as jnp
import numpy as np

B = 16384
EMB = 32
HID = 128
V = 100000

def setup_inputs(seed: int = 0) -> dict:
    key = jax.random.key(seed)
    ks = jax.random.split(key, 8)
    batch_seq_cat = jax.random.randint(ks[0], (B, 6), 0, V)
    lanes_tab = jax.random.normal(ks[1], (V, EMB), dtype=jnp.float32) * 0.02
    maxspeed_tab = jax.random.normal(ks[2], (V, EMB), dtype=jnp.float32) * 0.02
    length_tab = jax.random.normal(ks[3], (V, EMB), dtype=jnp.float32) * 0.02
    lon_tab = jax.random.normal(ks[4], (V, EMB), dtype=jnp.float32) * 0.02
    lat_tab = jax.random.normal(ks[5], (V, EMB), dtype=jnp.float32) * 0.02
    # padding_idx=0 for the first three tables: zero out row 0
    lanes_tab = lanes_tab.at[0].set(0.0)
    maxspeed_tab = maxspeed_tab.at[0].set(0.0)
    length_tab = length_tab.at[0].set(0.0)
    W = jax.random.normal(ks[6], (HID, EMB * 5), dtype=jnp.float32) * (1.0 / np.sqrt(EMB * 5))
    b = jax.random.normal(ks[7], (HID,), dtype=jnp.float32) * 0.01
    return {"batch_seq_cat": batch_seq_cat, "lanes_tab": lanes_tab, "maxspeed_tab": maxspeed_tab,
            "length_tab": length_tab, "lon_tab": lon_tab, "lat_tab": lat_tab, "W": W, "b": b}

def reference(batch_seq_cat, lanes_tab, maxspeed_tab, length_tab, lon_tab, lat_tab, W, b):
    e1 = jnp.take(lanes_tab, batch_seq_cat[:, 1], axis=0)
    e2 = jnp.take(maxspeed_tab, batch_seq_cat[:, 2], axis=0)
    e3 = jnp.take(length_tab, batch_seq_cat[:, 3], axis=0)
    e4 = jnp.take(lon_tab, batch_seq_cat[:, 4], axis=0)
    e5 = jnp.take(lat_tab, batch_seq_cat[:, 5], axis=0)
    sparse_vec = jnp.concatenate([e1, e2, e3, e4, e5], axis=1)
    out = sparse_vec @ W.T + b
    return out

if __name__ == "__main__":
    import jax
    _d = setup_inputs()
    print(jax.jit(kernel)(*tuple(_d.values())))

</pallas_src>

<mosaic_0001>
#map = affine_map<(d0, d1) -> (0, 0)>
module attributes {stable_mosaic.version = 14 : i64} {
  func.func @_sc_gather_body(%arg0: i32, %arg1: i32, %arg2: memref<640x128xi32, #tpu.memory_space<hbm>>, %arg3: memref<500000x128xf32, #tpu.memory_space<hbm>>, %arg4: memref<16384x128xf32, #tpu.memory_space<hbm>>, %arg5: memref<20x128xi32, #tpu.memory_space<vmem>>, %arg6: memref<512x128xf32, #tpu.memory_space<vmem>>, %arg7: memref<!tpu.dma_semaphore, #tpu.memory_space<semaphore_mem>>, %arg8: memref<!tpu.dma_semaphore, #tpu.memory_space<semaphore_mem>>, %arg9: memref<!tpu.dma_semaphore, #tpu.memory_space<semaphore_mem>>, %arg10: memref<!tpu.dma_semaphore, #tpu.memory_space<semaphore_mem>>, %arg11: memref<!tpu.dma_semaphore, #tpu.memory_space<semaphore_mem>>) attributes {dimension_semantics = [#tpu.dimension_semantics<core_parallel>, #tpu.dimension_semantics<subcore_parallel>], iteration_bounds = array<i64: 2, 16>, scalar_prefetch = 0 : i64, scratch_operands = 7 : i64, tpu.core_type = #tpu.core_type<sc_vector_subcore>, window_params = [{transform_indices = #map}, {transform_indices = #map}, {transform_indices = #map}]} {
    %mul3A = arith.constant 2 : i32
    %mul3A_0 = arith.muli %arg1, %mul3A : i32
    %add3A = arith.addi %mul3A_0, %arg0 : i32
    %mul3A_1 = arith.constant 5 : i32
    %mul3A_2 = arith.muli %add3A, %mul3A_1 : i32
    %mul3A_3 = arith.constant 4 : i32
    %mul3A_4 = arith.muli %mul3A_2, %mul3A_3 : i32
    "tpu.region"() ({
      %run_scoped3A = tpu.sem_alloc : memref<!tpu.dma_semaphore, #tpu.memory_space<semaphore_mem>>
      %dma_start3A_499 = arith.constant 0 : i32
      %dma_start3A_500 = tpu.memref_slice %arg2[%mul3A_4, %dma_start3A_499] : memref<640x128xi32, #tpu.memory_space<hbm>> -> memref<20x128xi32, #tpu.memory_space<hbm>>
      %dma_start3A_501 = arith.constant 0 : i32
      %dma_start3A_502 = tpu.memref_slice %arg2[%mul3A_4, %dma_start3A_501] : memref<640x128xi32, #tpu.memory_space<hbm>> -> memref<20x128xi32, #tpu.memory_space<hbm>>
      tpu.enqueue_dma source(%dma_start3A_502 : memref<20x128xi32, #tpu.memory_space<hbm>>) target(%arg5 : memref<20x128xi32, #tpu.memory_space<vmem>>) target_semaphore(%run_scoped3A : memref<!tpu.dma_semaphore, #tpu.memory_space<semaphore_mem>>)
      %dma_wait3A_503 = arith.constant 0 : i32
      %dma_wait3A_504 = tpu.memref_slice %arg2[%mul3A_4, %dma_wait3A_503] : memref<640x128xi32, #tpu.memory_space<hbm>> -> memref<20x128xi32, #tpu.memory_space<hbm>>
      %dma_wait3A_505 = arith.constant 0 : i32
      %dma_wait3A_506 = tpu.memref_slice %arg2[%mul3A_4, %dma_wait3A_505] : memref<640x128xi32, #tpu.memory_space<hbm>> -> memref<20x128xi32, #tpu.memory_space<hbm>>
      tpu.wait_dma2 semaphore(%run_scoped3A : memref<!tpu.dma_semaphore, #tpu.memory_space<semaphore_mem>>) src(%dma_wait3A_506 : memref<20x128xi32, #tpu.memory_space<hbm>>) dst(%arg5 : memref<20x128xi32, #tpu.memory_space<vmem>>)
      tpu.yield
    }) : () -> ()
    %dma_start3A = arith.constant 0 : i32
    %dma_start3A_5 = arith.constant 0 : i32
    %dma_start3A_6 = arith.constant 0 : i32
    %dma_start3A_7 = tpu.memref_slice %arg6[%dma_start3A_5, %dma_start3A_6] : memref<512x128xf32, #tpu.memory_space<vmem>> -> memref<128x128xf32, #tpu.memory_space<vmem>>
    %dma_start3A_8 = arith.constant 0 : i32
    %dma_start3A_9 = tpu.memref_slice %arg5[%dma_start3A, %dma_start3A_8] : memref<20x128xi32, #tpu.memory_space<vmem>> -> memref<1x128xi32, #tpu.memory_space<vmem>>
    %dma_start3A_10 = tpu.memref_squeeze %dma_start3A_9 : memref<1x128xi32, #tpu.memory_space<vmem>> -> memref<128xi32, #tpu.memory_space<vmem>>
    %dma_start3A_11 = arith.constant 0 : i32
    %dma_start3A_12 = arith.constant 0 : i32
    %dma_start3A_13 = tpu.memref_slice %arg3[%dma_start3A_11, %dma_start3A_12] : memref<500000x128xf32, #tpu.memory_space<hbm>> -> memref<500000x128xf32, #tpu.memory_space<hbm>>
    tpu.enqueue_indirect_dma source(%dma_start3A_13 : memref<500000x128xf32, #tpu.memory_space<hbm>>) target(%dma_start3A_7 : memref<128x128xf32, #tpu.memory_space<vmem>>) offsets(%dma_start3A_10 : memref<128xi32, #tpu.memory_space<vmem>>) semaphore(%arg7 : memref<!tpu.dma_semaphore, #tpu.memory_space<semaphore_mem>>)
    %dma_start3A_14 = arith.constant 1 : i32
    %dma_start3A_15 = arith.constant 128 : i32
    %dma_start3A_16 = arith.constant 0 : i32
    %dma_start3A_17 = tpu.memref_slice %arg6[%dma_start3A_15, %dma_start3A_16] : memref<512x128xf32, #tpu.memory_space<vmem>> -> memref<128x128xf32, #tpu.memory_space<vmem>>
    %dma_start3A_18 = arith.constant 0 : i32
    %dma_start3A_19 = tpu.memref_slice %arg5[%dma_start3A_14, %dma_start3A_18] : memref<20x128xi32, #tpu.memory_space<vmem>> -> memref<1x128xi32, #tpu.memory_space<vmem>>
    %dma_start3A_20 = tpu.memref_squeeze %dma_start3A_19 : memref<1x128xi32, #tpu.memory_space<vmem>> -> memref<128xi32, #tpu.memory_space<vmem>>
    %dma_start3A_21 = arith.constant 0 : i32
    %dma_start3A_22 = arith.constant 0 : i32
    %dma_start3A_23 = tpu.memref_slice %arg3[%dma_start3A_21, %dma_start3A_22] : memref<500000x128xf32, #tpu.memory_space<hbm>> -> memref<500000x128xf32, #tpu.memory_space<hbm>>
    tpu.enqueue_indirect_dma source(%dma_start3A_23 : memref<500000x128xf32, #tpu.memory_space<hbm>>) target(%dma_start3A_17 : memref<128x128xf32, #tpu.memory_space<vmem>>) offsets(%dma_start3A_20 : memref<128xi32, #tpu.memory_space<vmem>>) semaphore(%arg8 : memref<!tpu.dma_semaphore, #tpu.memory_space<semaphore_mem>>)
    %dma_start3A_24 = arith.constant 2 : i32
    %dma_start3A_25 = arith.constant 256 : i32
    %dma_start3A_26 = arith.constant 0 : i32
    %dma_start3A_27 = tpu.memref_slice %arg6[%dma_start3A_25, %dma_start3A_26] : memref<512x128xf32, #tpu.memory_space<vmem>> -> memref<128x128xf32, #tpu.memory_space<vmem>>
    %dma_start3A_28 = arith.constant 0 : i32
    %dma_start3A_29 = tpu.memref_slice %arg5[%dma_start3A_24, %dma_start3A_28] : memref<20x128xi32, #tpu.memory_space<vmem>> -> memref<1x128xi32, #tpu.memory_space<vmem>>
    %dma_start3A_30 = tpu.memref_squeeze %dma_start3A_29 : memref<1x128xi32, #tpu.memory_space<vmem>> -> memref<128xi32, #tpu.memory_space<vmem>>
    %dma_start3A_31 = arith.constant 0 : i32
    %dma_start3A_32 = arith.constant 0 : i32
    %dma_start3A_33 = tpu.memref_slice %arg3[%dma_start3A_31, %dma_start3A_32] : memref<500000x128xf32, #tpu.memory_space<hbm>> -> memref<500000x128xf32, #tpu.memory_space<hbm>>
    tpu.enqueue_indirect_dma source(%dma_start3A_33 : memref<500000x128xf32, #tpu.memory_space<hbm>>) target(%dma_start3A_27 : memref<128x128xf32, #tpu.memory_space<vmem>>) offsets(%dma_start3A_30 : memref<128xi32, #tpu.memory_space<vmem>>) semaphore(%arg9 : memref<!tpu.dma_semaphore, #tpu.memory_space<semaphore_mem>>)
    %dma_start3A_34 = arith.constant 3 : i32
    %dma_start3A_35 = arith.constant 384 : i32
    %dma_start3A_36 = arith.constant 0 : i32
    %dma_start3A_37 = tpu.memref_slice %arg6[%dma_start3A_35, %dma_start3A_36] : memref<512x128xf32, #tpu.memory_space<vmem>> -> memref<128x128xf32, #tpu.memory_space<vmem>>
    %dma_start3A_38 = arith.constant 0 : i32
    %dma_start3A_39 = tpu.memref_slice %arg5[%dma_start3A_34, %dma_start3A_38] : memref<20x128xi32, #tpu.memory_space<vmem>> -> memref<1x128xi32, #tpu.memory_space<vmem>>
    %dma_start3A_40 = tpu.memref_squeeze %dma_start3A_39 : memref<1x128xi32, #tpu.memory_space<vmem>> -> memref<128xi32, #tpu.memory_space<vmem>>
    %dma_start3A_41 = arith.constant 0 : i32
    %dma_start3A_42 = arith.constant 0 : i32
    %dma_start3A_43 = tpu.memref_slice %arg3[%dma_start3A_41, %dma_start3A_42] : memref<500000x128xf32, #tpu.memory_space<hbm>> -> memref<500000x128xf32, #tpu.memory_space<hbm>>
    tpu.enqueue_indirect_dma source(%dma_start3A_43 : memref<500000x128xf32, #tpu.memory_space<hbm>>) target(%dma_start3A_37 : memref<128x128xf32, #tpu.memory_space<vmem>>) offsets(%dma_start3A_40 : memref<128xi32, #tpu.memory_space<vmem>>) semaphore(%arg10 : memref<!tpu.dma_semaphore, #tpu.memory_space<semaphore_mem>>)
    %dma_wait3A = arith.constant 0 : i32
    %dma_wait3A_44 = arith.constant 0 : i32
    %dma_wait3A_45 = arith.constant 0 : i32
    %dma_wait3A_46 = tpu.memref_slice %arg6[%dma_wait3A_44, %dma_wait3A_45] : memref<512x128xf32, #tpu.memory_space<vmem>> -> memref<128x128xf32, #tpu.memory_space<vmem>>
    %dma_wait3A_47 = arith.constant 0 : i32
    %dma_wait3A_48 = tpu.memref_slice %arg5[%dma_wait3A, %dma_wait3A_47] : memref<20x128xi32, #tpu.memory_space<vmem>> -> memref<1x128xi32, #tpu.memory_space<vmem>>
    %dma_wait3A_49 = tpu.memref_squeeze %dma_wait3A_48 : memref<1x128xi32, #tpu.memory_space<vmem>> -> memref<128xi32, #tpu.memory_space<vmem>>
    %dma_wait3A_50 = arith.constant 0 : i32
    %dma_wait3A_51 = arith.constant 0 : i32
    %dma_wait3A_52 = tpu.memref_slice %arg3[%dma_wait3A_50, %dma_wait3A_51] : memref<500000x128xf32, #tpu.memory_space<hbm>> -> memref<500000x128xf32, #tpu.memory_space<hbm>>
    tpu.wait_indirect_dma semaphore(%arg7 : memref<!tpu.dma_semaphore, #tpu.memory_space<semaphore_mem>>) src(%dma_wait3A_52 : memref<500000x128xf32, #tpu.memory_space<hbm>>) dst(%dma_wait3A_46 : memref<128x128xf32, #tpu.memory_space<vmem>>)
    %dma_start3A_53 = arith.constant 4 : i32
    %dma_start3A_54 = arith.constant 0 : i32
    %dma_start3A_55 = arith.constant 0 : i32
    %dma_start3A_56 = tpu.memref_slice %arg6[%dma_start3A_54, %dma_start3A_55] : memref<512x128xf32, #tpu.memory_space<vmem>> -> memref<128x128xf32, #tpu.memory_space<vmem>>
    %dma_start3A_57 = arith.constant 0 : i32
    %dma_start3A_58 = tpu.memref_slice %arg5[%dma_start3A_53, %dma_start3A_57] : memref<20x128xi32, #tpu.memory_space<vmem>> -> memref<1x128xi32, #tpu.memory_space<vmem>>
    %dma_start3A_59 = tpu.memref_squeeze %dma_start3A_58 : memref<1x128xi32, #tpu.memory_space<vmem>> -> memref<128xi32, #tpu.memory_space<vmem>>
    %dma_start3A_60 = arith.constant 0 : i32
    %dma_start3A_61 = arith.constant 0 : i32
    %dma_start3A_62 = tpu.memref_slice %arg3[%dma_start3A_60, %dma_start3A_61] : memref<500000x128xf32, #tpu.memory_space<hbm>> -> memref<500000x128xf32, #tpu.memory_space<hbm>>
    tpu.enqueue_indirect_dma source(%dma_start3A_62 : memref<500000x128xf32, #tpu.memory_space<hbm>>) target(%dma_start3A_56 : memref<128x128xf32, #tpu.memory_space<vmem>>) offsets(%dma_start3A_59 : memref<128xi32, #tpu.memory_space<vmem>>) semaphore(%arg7 : memref<!tpu.dma_semaphore, #tpu.memory_space<semaphore_mem>>) {add = true}
    %dma_start3A_63 = arith.constant 8 : i32
    %dma_start3A_64 = arith.constant 0 : i32
    %dma_start3A_65 = arith.constant 0 : i32
    %dma_start3A_66 = tpu.memref_slice %arg6[%dma_start3A_64, %dma_start3A_65] : memref<512x128xf32, #tpu.memory_space<vmem>> -> memref<128x128xf32, #tpu.memory_space<vmem>>
    %dma_start3A_67 = arith.constant 0 : i32
    %dma_start3A_68 = tpu.memref_slice %arg5[%dma_start3A_63, %dma_start3A_67] : memref<20x128xi32, #tpu.memory_space<vmem>> -> memref<1x128xi32, #tpu.memory_space<vmem>>
    %dma_start3A_69 = tpu.memref_squeeze %dma_start3A_68 : memref<1x128xi32, #tpu.memory_space<vmem>> -> memref<128xi32, #tpu.memory_space<vmem>>
    %dma_start3A_70 = arith.constant 0 : i32
    %dma_start3A_71 = arith.constant 0 : i32
    %dma_start3A_72 = tpu.memref_slice %arg3[%dma_start3A_70, %dma_start3A_71] : memref<500000x128xf32, #tpu.memory_space<hbm>> -> memref<500000x128xf32, #tpu.memory_space<hbm>>
    tpu.enqueue_indirect_dma source(%dma_start3A_72 : memref<500000x128xf32, #tpu.memory_space<hbm>>) target(%dma_start3A_66 : memref<128x128xf32, #tpu.memory_space<vmem>>) offsets(%dma_start3A_69 : memref<128xi32, #tpu.memory_space<vmem>>) semaphore(%arg7 : memref<!tpu.dma_semaphore, #tpu.memory_space<semaphore_mem>>) {add = true}
    %dma_start3A_73 = arith.constant 12 : i32
    %dma_start3A_74 = arith.constant 0 : i32
    %dma_start3A_75 = arith.constant 0 : i32
    %dma_start3A_76 = tpu.memref_slice %arg6[%dma_start3A_74, %dma_start3A_75] : memref<512x128xf32, #tpu.memory_space<vmem>> -> memref<128x128xf32, #tpu.memory_space<vmem>>
    %dma_start3A_77 = arith.constant 0 : i32
    %dma_start3A_78 = tpu.memref_slice %arg5[%dma_start3A_73, %dma_start3A_77] : memref<20x128xi32, #tpu.memory_space<vmem>> -> memref<1x128xi32, #tpu.memory_space<vmem>>
    %dma_start3A_79 = tpu.memref_squeeze %dma_start3A_78 : memref<1x128xi32, #tpu.memory_space<vmem>> -> memref<128xi32, #tpu.memory_space<vmem>>
    %dma_start3A_80 = arith.constant 0 : i32
    %dma_start3A_81 = arith.constant 0 : i32
    %dma_start3A_82 = tpu.memref_slice %arg3[%dma_start3A_80, %dma_start3A_81] : memref<500000x128xf32, #tpu.memory_space<hbm>> -> memref<500000x128xf32, #tpu.memory_space<hbm>>
    tpu.enqueue_indirect_dma source(%dma_start3A_82 : memref<500000x128xf32, #tpu.memory_space<hbm>>) target(%dma_start3A_76 : memref<128x128xf32, #tpu.memory_space<vmem>>) offsets(%dma_start3A_79 : memref<128xi32, #tpu.memory_space<vmem>>) semaphore(%arg7 : memref<!tpu.dma_semaphore, #tpu.memory_space<semaphore_mem>>) {add = true}
    %dma_start3A_83 = arith.constant 16 : i32
    %dma_start3A_84 = arith.constant 0 : i32
    %dma_start3A_85 = arith.constant 0 : i32
    %dma_start3A_86 = tpu.memref_slice %arg6[%dma_start3A_84, %dma_start3A_85] : memref<512x128xf32, #tpu.memory_space<vmem>> -> memref<128x128xf32, #tpu.memory_space<vmem>>
    %dma_start3A_87 = arith.constant 0 : i32
    %dma_start3A_88 = tpu.memref_slice %arg5[%dma_start3A_83, %dma_start3A_87] : memref<20x128xi32, #tpu.memory_space<vmem>> -> memref<1x128xi32, #tpu.memory_space<vmem>>
    %dma_start3A_89 = tpu.memref_squeeze %dma_start3A_88 : memref<1x128xi32, #tpu.memory_space<vmem>> -> memref<128xi32, #tpu.memory_space<vmem>>
    %dma_start3A_90 = arith.constant 0 : i32
    %dma_start3A_91 = arith.constant 0 : i32
    %dma_start3A_92 = tpu.memref_slice %arg3[%dma_start3A_90, %dma_start3A_91] : memref<500000x128xf32, #tpu.memory_space<hbm>> -> memref<500000x128xf32, #tpu.memory_space<hbm>>
    tpu.enqueue_indirect_dma source(%dma_start3A_92 : memref<500000x128xf32, #tpu.memory_space<hbm>>) target(%dma_start3A_86 : memref<128x128xf32, #tpu.memory_space<vmem>>) offsets(%dma_start3A_89 : memref<128xi32, #tpu.memory_space<vmem>>) semaphore(%arg7 : memref<!tpu.dma_semaphore, #tpu.memory_space<semaphore_mem>>) {add = true}
    %dma_wait3A_93 = arith.constant 1 : i32
    %dma_wait3A_94 = arith.constant 128 : i32
    %dma_wait3A_95 = arith.constant 0 : i32
    %dma_wait3A_96 = tpu.memref_slice %arg6[%dma_wait3A_94, %dma_wait3A_95] : memref<512x128xf32, #tpu.memory_space<vmem>> -> memref<128x128xf32, #tpu.memory_space<vmem>>
    %dma_wait3A_97 = arith.constant 0 : i32
    %dma_wait3A_98 = tpu.memref_slice %arg5[%dma_wait3A_93, %dma_wait3A_97] : memref<20x128xi32, #tpu.memory_space<vmem>> -> memref<1x128xi32, #tpu.memory_space<vmem>>
    %dma_wait3A_99 = tpu.memref_squeeze %dma_wait3A_98 : memref<1x128xi32, #tpu.memory_space<vmem>> -> memref<128xi32, #tpu.memory_space<vmem>>
    %dma_wait3A_100 = arith.constant 0 : i32
    %dma_wait3A_101 = arith.constant 0 : i32
    %dma_wait3A_102 = tpu.memref_slice %arg3[%dma_wait3A_100, %dma_wait3A_101] : memref<500000x128xf32, #tpu.memory_space<hbm>> -> memref<500000x128xf32, #tpu.memory_space<hbm>>
    tpu.wait_indirect_dma semaphore(%arg8 : memref<!tpu.dma_semaphore, #tpu.memory_space<semaphore_mem>>) src(%dma_wait3A_102 : memref<500000x128xf32, #tpu.memory_space<hbm>>) dst(%dma_wait3A_96 : memref<128x128xf32, #tpu.memory_space<vmem>>)
    %dma_start3A_103 = arith.constant 5 : i32
    %dma_start3A_104 = arith.constant 128 : i32
    %dma_start3A_105 = arith.constant 0 : i32
    %dma_start3A_106 = tpu.memref_slice %arg6[%dma_start3A_104, %dma_start3A_105] : memref<512x128xf32, #tpu.memory_space<vmem>> -> memref<128x128xf32, #tpu.memory_space<vmem>>
    %dma_start3A_107 = arith.constant 0 : i32
    %dma_start3A_108 = tpu.memref_slice %arg5[%dma_start3A_103, %dma_start3A_107] : memref<20x128xi32, #tpu.memory_space<vmem>> -> memref<1x128xi32, #tpu.memory_space<vmem>>
    %dma_start3A_109 = tpu.memref_squeeze %dma_start3A_108 : memref<1x128xi32, #tpu.memory_space<vmem>> -> memref<128xi32, #tpu.memory_space<vmem>>
    %dma_start3A_110 = arith.constant 0 : i32
    %dma_start3A_111 = arith.constant 0 : i32
    %dma_start3A_112 = tpu.memref_slice %arg3[%dma_start3A_110, %dma_start3A_111] : memref<500000x128xf32, #tpu.memory_space<hbm>> -> memref<500000x128xf32, #tpu.memory_space<hbm>>
    tpu.enqueue_indirect_dma source(%dma_start3A_112 : memref<500000x128xf32, #tpu.memory_space<hbm>>) target(%dma_start3A_106 : memref<128x128xf32, #tpu.memory_space<vmem>>) offsets(%dma_start3A_109 : memref<128xi32, #tpu.memory_space<vmem>>) semaphore(%arg8 : memref<!tpu.dma_semaphore, #tpu.memory_space<semaphore_mem>>) {add = true}
    %dma_start3A_113 = arith.constant 9 : i32
    %dma_start3A_114 = arith.constant 128 : i32
    %dma_start3A_115 = arith.constant 0 : i32
    %dma_start3A_116 = tpu.memref_slice %arg6[%dma_start3A_114, %dma_start3A_115] : memref<512x128xf32, #tpu.memory_space<vmem>> -> memref<128x128xf32, #tpu.memory_space<vmem>>
    %dma_start3A_117 = arith.constant 0 : i32
    %dma_start3A_118 = tpu.memref_slice %arg5[%dma_start3A_113, %dma_start3A_117] : memref<20x128xi32, #tpu.memory_space<vmem>> -> memref<1x128xi32, #tpu.memory_space<vmem>>
    %dma_start3A_119 = tpu.memref_squeeze %dma_start3A_118 : memref<1x128xi32, #tpu.memory_space<vmem>> -> memref<128xi32, #tpu.memory_space<vmem>>
    %dma_start3A_120 = arith.constant 0 : i32
    %dma_start3A_121 = arith.constant 0 : i32
    %dma_start3A_122 = tpu.memref_slice %arg3[%dma_start3A_120, %dma_start3A_121] : memref<500000x128xf32, #tpu.memory_space<hbm>> -> memref<500000x128xf32, #tpu.memory_space<hbm>>
    tpu.enqueue_indirect_dma source(%dma_start3A_122 : memref<500000x128xf32, #tpu.memory_space<hbm>>) target(%dma_start3A_116 : memref<128x128xf32, #tpu.memory_space<vmem>>) offsets(%dma_start3A_119 : memref<128xi32, #tpu.memory_space<vmem>>) semaphore(%arg8 : memref<!tpu.dma_semaphore, #tpu.memory_space<semaphore_mem>>) {add = true}
    %dma_start3A_123 = arith.constant 13 : i32
    %dma_start3A_124 = arith.constant 128 : i32
    %dma_start3A_125 = arith.constant 0 : i32
    %dma_start3A_126 = tpu.memref_slice %arg6[%dma_start3A_124, %dma_start3A_125] : memref<512x128xf32, #tpu.memory_space<vmem>> -> memref<128x128xf32, #tpu.memory_space<vmem>>
    %dma_start3A_127 = arith.constant 0 : i32
    %dma_start3A_128 = tpu.memref_slice %arg5[%dma_start3A_123, %dma_start3A_127] : memref<20x128xi32, #tpu.memory_space<vmem>> -> memref<1x128xi32, #tpu.memory_space<vmem>>
    %dma_start3A_129 = tpu.memref_squeeze %dma_start3A_128 : memref<1x128xi32, #tpu.memory_space<vmem>> -> memref<128xi32, #tpu.memory_space<vmem>>
    %dma_start3A_130 = arith.constant 0 : i32
    %dma_start3A_131 = arith.constant 0 : i32
    %dma_start3A_132 = tpu.memref_slice %arg3[%dma_start3A_130, %dma_start3A_131] : memref<500000x128xf32, #tpu.memory_space<hbm>> -> memref<500000x128xf32, #tpu.memory_space<hbm>>
    tpu.enqueue_indirect_dma source(%dma_start3A_132 : memref<500000x128xf32, #tpu.memory_space<hbm>>) target(%dma_start3A_126 : memref<128x128xf32, #tpu.memory_space<vmem>>) offsets(%dma_start3A_129 : memref<128xi32, #tpu.memory_space<vmem>>) semaphore(%arg8 : memref<!tpu.dma_semaphore, #tpu.memory_space<semaphore_mem>>) {add = true}
    %dma_start3A_133 = arith.constant 17 : i32
    %dma_start3A_134 = arith.constant 128 : i32
    %dma_start3A_135 = arith.constant 0 : i32
    %dma_start3A_136 = tpu.memref_slice %arg6[%dma_start3A_134, %dma_start3A_135] : memref<512x128xf32, #tpu.memory_space<vmem>> -> memref<128x128xf32, #tpu.memory_space<vmem>>
    %dma_start3A_137 = arith.constant 0 : i32
    %dma_start3A_138 = tpu.memref_slice %arg5[%dma_start3A_133, %dma_start3A_137] : memref<20x128xi32, #tpu.memory_space<vmem>> -> memref<1x128xi32, #tpu.memory_space<vmem>>
    %dma_start3A_139 = tpu.memref_squeeze %dma_start3A_138 : memref<1x128xi32, #tpu.memory_space<vmem>> -> memref<128xi32, #tpu.memory_space<vmem>>
    %dma_start3A_140 = arith.constant 0 : i32
    %dma_start3A_141 = arith.constant 0 : i32
    %dma_start3A_142 = tpu.memref_slice %arg3[%dma_start3A_140, %dma_start3A_141] : memref<500000x128xf32, #tpu.memory_space<hbm>> -> memref<500000x128xf32, #tpu.memory_space<hbm>>
    tpu.enqueue_indirect_dma source(%dma_start3A_142 : memref<500000x128xf32, #tpu.memory_space<hbm>>) target(%dma_start3A_136 : memref<128x128xf32, #tpu.memory_space<vmem>>) offsets(%dma_start3A_139 : memref<128xi32, #tpu.memory_space<vmem>>) semaphore(%arg8 : memref<!tpu.dma_semaphore, #tpu.memory_space<semaphore_mem>>) {add = true}
    %dma_wait3A_143 = arith.constant 2 : i32
    %dma_wait3A_144 = arith.constant 256 : i32
    %dma_wait3A_145 = arith.constant 0 : i32
    %dma_wait3A_146 = tpu.memref_slice %arg6[%dma_wait3A_144, %dma_wait3A_145] : memref<512x128xf32, #tpu.memory_space<vmem>> -> memref<128x128xf32, #tpu.memory_space<vmem>>
    %dma_wait3A_147 = arith.constant 0 : i32
    %dma_wait3A_148 = tpu.memref_slice %arg5[%dma_wait3A_143, %dma_wait3A_147] : memref<20x128xi32, #tpu.memory_space<vmem>> -> memref<1x128xi32, #tpu.memory_space<vmem>>
    %dma_wait3A_149 = tpu.memref_squeeze %dma_wait3A_148 : memref<1x128xi32, #tpu.memory_space<vmem>> -> memref<128xi32, #tpu.memory_space<vmem>>
    %dma_wait3A_150 = arith.constant 0 : i32
    %dma_wait3A_151 = arith.constant 0 : i32
    %dma_wait3A_152 = tpu.memref_slice %arg3[%dma_wait3A_150, %dma_wait3A_151] : memref<500000x128xf32, #tpu.memory_space<hbm>> -> memref<500000x128xf32, #tpu.memory_space<hbm>>
    tpu.wait_indirect_dma semaphore(%arg9 : memref<!tpu.dma_semaphore, #tpu.memory_space<semaphore_mem>>) src(%dma_wait3A_152 : memref<500000x128xf32, #tpu.memory_space<hbm>>) dst(%dma_wait3A_146 : memref<128x128xf32, #tpu.memory_space<vmem>>)
    %dma_start3A_153 = arith.constant 6 : i32
    %dma_start3A_154 = arith.constant 256 : i32
    %dma_start3A_155 = arith.constant 0 : i32
    %dma_start3A_156 = tpu.memref_slice %arg6[%dma_start3A_154, %dma_start3A_155] : memref<512x128xf32, #tpu.memory_space<vmem>> -> memref<128x128xf32, #tpu.memory_space<vmem>>
    %dma_start3A_157 = arith.constant 0 : i32
    %dma_start3A_158 = tpu.memref_slice %arg5[%dma_start3A_153, %dma_start3A_157] : memref<20x128xi32, #tpu.memory_space<vmem>> -> memref<1x128xi32, #tpu.memory_space<vmem>>
    %dma_start3A_159 = tpu.memref_squeeze %dma_start3A_158 : memref<1x128xi32, #tpu.memory_space<vmem>> -> memref<128xi32, #tpu.memory_space<vmem>>
    %dma_start3A_160 = arith.constant 0 : i32
    %dma_start3A_161 = arith.constant 0 : i32
    %dma_start3A_162 = tpu.memref_slice %arg3[%dma_start3A_160, %dma_start3A_161] : memref<500000x128xf32, #tpu.memory_space<hbm>> -> memref<500000x128xf32, #tpu.memory_space<hbm>>
    tpu.enqueue_indirect_dma source(%dma_start3A_162 : memref<500000x128xf32, #tpu.memory_space<hbm>>) target(%dma_start3A_156 : memref<128x128xf32, #tpu.memory_space<vmem>>) offsets(%dma_start3A_159 : memref<128xi32, #tpu.memory_space<vmem>>) semaphore(%arg9 : memref<!tpu.dma_semaphore, #tpu.memory_space<semaphore_mem>>) {add = true}
    %dma_start3A_163 = arith.constant 10 : i32
    %dma_start3A_164 = arith.constant 256 : i32
    %dma_start3A_165 = arith.constant 0 : i32
    %dma_start3A_166 = tpu.memref_slice %arg6[%dma_start3A_164, %dma_start3A_165] : memref<512x128xf32, #tpu.memory_space<vmem>> -> memref<128x128xf32, #tpu.memory_space<vmem>>
    %dma_start3A_167 = arith.constant 0 : i32
    %dma_start3A_168 = tpu.memref_slice %arg5[%dma_start3A_163, %dma_start3A_167] : memref<20x128xi32, #tpu.memory_space<vmem>> -> memref<1x128xi32, #tpu.memory_space<vmem>>
    %dma_start3A_169 = tpu.memref_squeeze %dma_start3A_168 : memref<1x128xi32, #tpu.memory_space<vmem>> -> memref<128xi32, #tpu.memory_space<vmem>>
    %dma_start3A_170 = arith.constant 0 : i32
    %dma_start3A_171 = arith.constant 0 : i32
    %dma_start3A_172 = tpu.memref_slice %arg3[%dma_start3A_170, %dma_start3A_171] : memref<500000x128xf32, #tpu.memory_space<hbm>> -> memref<500000x128xf32, #tpu.memory_space<hbm>>
    tpu.enqueue_indirect_dma source(%dma_start3A_172 : memref<500000x128xf32, #tpu.memory_space<hbm>>) target(%dma_start3A_166 : memref<128x128xf32, #tpu.memory_space<vmem>>) offsets(%dma_start3A_169 : memref<128xi32, #tpu.memory_space<vmem>>) semaphore(%arg9 : memref<!tpu.dma_semaphore, #tpu.memory_space<semaphore_mem>>) {add = true}
    %dma_start3A_173 = arith.constant 14 : i32
    %dma_start3A_174 = arith.constant 256 : i32
    %dma_start3A_175 = arith.constant 0 : i32
    %dma_start3A_176 = tpu.memref_slice %arg6[%dma_start3A_174, %dma_start3A_175] : memref<512x128xf32, #tpu.memory_space<vmem>> -> memref<128x128xf32, #tpu.memory_space<vmem>>
    %dma_start3A_177 = arith.constant 0 : i32
    %dma_start3A_178 = tpu.memref_slice %arg5[%dma_start3A_173, %dma_start3A_177] : memref<20x128xi32, #tpu.memory_space<vmem>> -> memref<1x128xi32, #tpu.memory_space<vmem>>
    %dma_start3A_179 = tpu.memref_squeeze %dma_start3A_178 : memref<1x128xi32, #tpu.memory_space<vmem>> -> memref<128xi32, #tpu.memory_space<vmem>>
    %dma_start3A_180 = arith.constant 0 : i32
    %dma_start3A_181 = arith.constant 0 : i32
    %dma_start3A_182 = tpu.memref_slice %arg3[%dma_start3A_180, %dma_start3A_181] : memref<500000x128xf32, #tpu.memory_space<hbm>> -> memref<500000x128xf32, #tpu.memory_space<hbm>>
    tpu.enqueue_indirect_dma source(%dma_start3A_182 : memref<500000x128xf32, #tpu.memory_space<hbm>>) target(%dma_start3A_176 : memref<128x128xf32, #tpu.memory_space<vmem>>) offsets(%dma_start3A_179 : memref<128xi32, #tpu.memory_space<vmem>>) semaphore(%arg9 : memref<!tpu.dma_semaphore, #tpu.memory_space<semaphore_mem>>) {add = true}
    %dma_start3A_183 = arith.constant 18 : i32
    %dma_start3A_184 = arith.constant 256 : i32
    %dma_start3A_185 = arith.constant 0 : i32
    %dma_start3A_186 = tpu.memref_slice %arg6[%dma_start3A_184, %dma_start3A_185] : memref<512x128xf32, #tpu.memory_space<vmem>> -> memref<128x128xf32, #tpu.memory_space<vmem>>
    %dma_start3A_187 = arith.constant 0 : i32
    %dma_start3A_188 = tpu.memref_slice %arg5[%dma_start3A_183, %dma_start3A_187] : memref<20x128xi32, #tpu.memory_space<vmem>> -> memref<1x128xi32, #tpu.memory_space<vmem>>
    %dma_start3A_189 = tpu.memref_squeeze %dma_start3A_188 : memref<1x128xi32, #tpu.memory_space<vmem>> -> memref<128xi32, #tpu.memory_space<vmem>>
    %dma_start3A_190 = arith.constant 0 : i32
    %dma_start3A_191 = arith.constant 0 : i32
    %dma_start3A_192 = tpu.memref_slice %arg3[%dma_start3A_190, %dma_start3A_191] : memref<500000x128xf32, #tpu.memory_space<hbm>> -> memref<500000x128xf32, #tpu.memory_space<hbm>>
    tpu.enqueue_indirect_dma source(%dma_start3A_192 : memref<500000x128xf32, #tpu.memory_space<hbm>>) target(%dma_start3A_186 : memref<128x128xf32, #tpu.memory_space<vmem>>) offsets(%dma_start3A_189 : memref<128xi32, #tpu.memory_space<vmem>>) semaphore(%arg9 : memref<!tpu.dma_semaphore, #tpu.memory_space<semaphore_mem>>) {add = true}
    %dma_wait3A_193 = arith.constant 3 : i32
    %dma_wait3A_194 = arith.constant 384 : i32
    %dma_wait3A_195 = arith.constant 0 : i32
    %dma_wait3A_196 = tpu.memref_slice %arg6[%dma_wait3A_194, %dma_wait3A_195] : memref<512x128xf32, #tpu.memory_space<vmem>> -> memref<128x128xf32, #tpu.memory_space<vmem>>
    %dma_wait3A_197 = arith.constant 0 : i32
    %dma_wait3A_198 = tpu.memref_slice %arg5[%dma_wait3A_193, %dma_wait3A_197] : memref<20x128xi32, #tpu.memory_space<vmem>> -> memref<1x128xi32, #tpu.memory_space<vmem>>
    %dma_wait3A_199 = tpu.memref_squeeze %dma_wait3A_198 : memref<1x128xi32, #tpu.memory_space<vmem>> -> memref<128xi32, #tpu.memory_space<vmem>>
    %dma_wait3A_200 = arith.constant 0 : i32
    %dma_wait3A_201 = arith.constant 0 : i32
    %dma_wait3A_202 = tpu.memref_slice %arg3[%dma_wait3A_200, %dma_wait3A_201] : memref<500000x128xf32, #tpu.memory_space<hbm>> -> memref<500000x128xf32, #tpu.memory_space<hbm>>
    tpu.wait_indirect_dma semaphore(%arg10 : memref<!tpu.dma_semaphore, #tpu.memory_space<semaphore_mem>>) src(%dma_wait3A_202 : memref<500000x128xf32, #tpu.memory_space<hbm>>) dst(%dma_wait3A_196 : memref<128x128xf32, #tpu.memory_space<vmem>>)
    %dma_start3A_203 = arith.constant 7 : i32
    %dma_start3A_204 = arith.constant 384 : i32
    %dma_start3A_205 = arith.constant 0 : i32
    %dma_start3A_206 = tpu.memref_slice %arg6[%dma_start3A_204, %dma_start3A_205] : memref<512x128xf32, #tpu.memory_space<vmem>> -> memref<128x128xf32, #tpu.memory_space<vmem>>
    %dma_start3A_207 = arith.constant 0 : i32
    %dma_start3A_208 = tpu.memref_slice %arg5[%dma_start3A_203, %dma_start3A_207] : memref<20x128xi32, #tpu.memory_space<vmem>> -> memref<1x128xi32, #tpu.memory_space<vmem>>
    %dma_start3A_209 = tpu.memref_squeeze %dma_start3A_208 : memref<1x128xi32, #tpu.memory_space<vmem>> -> memref<128xi32, #tpu.memory_space<vmem>>
    %dma_start3A_210 = arith.constant 0 : i32
    %dma_start3A_211 = arith.constant 0 : i32
    %dma_start3A_212 = tpu.memref_slice %arg3[%dma_start3A_210, %dma_start3A_211] : memref<500000x128xf32, #tpu.memory_space<hbm>> -> memref<500000x128xf32, #tpu.memory_space<hbm>>
    tpu.enqueue_indirect_dma source(%dma_start3A_212 : memref<500000x128xf32, #tpu.memory_space<hbm>>) target(%dma_start3A_206 : memref<128x128xf32, #tpu.memory_space<vmem>>) offsets(%dma_start3A_209 : memref<128xi32, #tpu.memory_space<vmem>>) semaphore(%arg10 : memref<!tpu.dma_semaphore, #tpu.memory_space<semaphore_mem>>) {add = true}
    %dma_start3A_213 = arith.constant 11 : i32
    %dma_start3A_214 = arith.constant 384 : i32
    %dma_start3A_215 = arith.constant 0 : i32
    %dma_start3A_216 = tpu.memref_slice %arg6[%dma_start3A_214, %dma_start3A_215] : memref<512x128xf32, #tpu.memory_space<vmem>> -> memref<128x128xf32, #tpu.memory_space<vmem>>
    %dma_start3A_217 = arith.constant 0 : i32
    %dma_start3A_218 = tpu.memref_slice %arg5[%dma_start3A_213, %dma_start3A_217] : memref<20x128xi32, #tpu.memory_space<vmem>> -> memref<1x128xi32, #tpu.memory_space<vmem>>
    %dma_start3A_219 = tpu.memref_squeeze %dma_start3A_218 : memref<1x128xi32, #tpu.memory_space<vmem>> -> memref<128xi32, #tpu.memory_space<vmem>>
    %dma_start3A_220 = arith.constant 0 : i32
    %dma_start3A_221 = arith.constant 0 : i32
    %dma_start3A_222 = tpu.memref_slice %arg3[%dma_start3A_220, %dma_start3A_221] : memref<500000x128xf32, #tpu.memory_space<hbm>> -> memref<500000x128xf32, #tpu.memory_space<hbm>>
    tpu.enqueue_indirect_dma source(%dma_start3A_222 : memref<500000x128xf32, #tpu.memory_space<hbm>>) target(%dma_start3A_216 : memref<128x128xf32, #tpu.memory_space<vmem>>) offsets(%dma_start3A_219 : memref<128xi32, #tpu.memory_space<vmem>>) semaphore(%arg10 : memref<!tpu.dma_semaphore, #tpu.memory_space<semaphore_mem>>) {add = true}
    %dma_start3A_223 = arith.constant 15 : i32
    %dma_start3A_224 = arith.constant 384 : i32
    %dma_start3A_225 = arith.constant 0 : i32
    %dma_start3A_226 = tpu.memref_slice %arg6[%dma_start3A_224, %dma_start3A_225] : memref<512x128xf32, #tpu.memory_space<vmem>> -> memref<128x128xf32, #tpu.memory_space<vmem>>
    %dma_start3A_227 = arith.constant 0 : i32
    %dma_start3A_228 = tpu.memref_slice %arg5[%dma_start3A_223, %dma_start3A_227] : memref<20x128xi32, #tpu.memory_space<vmem>> -> memref<1x128xi32, #tpu.memory_space<vmem>>
    %dma_start3A_229 = tpu.memref_squeeze %dma_start3A_228 : memref<1x128xi32, #tpu.memory_space<vmem>> -> memref<128xi32, #tpu.memory_space<vmem>>
    %dma_start3A_230 = arith.constant 0 : i32
    %dma_start3A_231 = arith.constant 0 : i32
    %dma_start3A_232 = tpu.memref_slice %arg3[%dma_start3A_230, %dma_start3A_231] : memref<500000x128xf32, #tpu.memory_space<hbm>> -> memref<500000x128xf32, #tpu.memory_space<hbm>>
    tpu.enqueue_indirect_dma source(%dma_start3A_232 : memref<500000x128xf32, #tpu.memory_space<hbm>>) target(%dma_start3A_226 : memref<128x128xf32, #tpu.memory_space<vmem>>) offsets(%dma_start3A_229 : memref<128xi32, #tpu.memory_space<vmem>>) semaphore(%arg10 : memref<!tpu.dma_semaphore, #tpu.memory_space<semaphore_mem>>) {add = true}
    %dma_start3A_233 = arith.constant 19 : i32
    %dma_start3A_234 = arith.constant 384 : i32
    %dma_start3A_235 = arith.constant 0 : i32
    %dma_start3A_236 = tpu.memref_slice %arg6[%dma_start3A_234, %dma_start3A_235] : memref<512x128xf32, #tpu.memory_space<vmem>> -> memref<128x128xf32, #tpu.memory_space<vmem>>
    %dma_start3A_237 = arith.constant 0 : i32
    %dma_start3A_238 = tpu.memref_slice %arg5[%dma_start3A_233, %dma_start3A_237] : memref<20x128xi32, #tpu.memory_space<vmem>> -> memref<1x128xi32, #tpu.memory_space<vmem>>
    %dma_start3A_239 = tpu.memref_squeeze %dma_start3A_238 : memref<1x128xi32, #tpu.memory_space<vmem>> -> memref<128xi32, #tpu.memory_space<vmem>>
    %dma_start3A_240 = arith.constant 0 : i32
    %dma_start3A_241 = arith.constant 0 : i32
    %dma_start3A_242 = tpu.memref_slice %arg3[%dma_start3A_240, %dma_start3A_241] : memref<500000x128xf32, #tpu.memory_space<hbm>> -> memref<500000x128xf32, #tpu.memory_space<hbm>>
    tpu.enqueue_indirect_dma source(%dma_start3A_242 : memref<500000x128xf32, #tpu.memory_space<hbm>>) target(%dma_start3A_236 : memref<128x128xf32, #tpu.memory_space<vmem>>) offsets(%dma_start3A_239 : memref<128xi32, #tpu.memory_space<vmem>>) semaphore(%arg10 : memref<!tpu.dma_semaphore, #tpu.memory_space<semaphore_mem>>) {add = true}
    %dma_wait3A_243 = arith.constant 4 : i32
    %dma_wait3A_244 = arith.constant 0 : i32
    %dma_wait3A_245 = arith.constant 0 : i32
    %dma_wait3A_246 = tpu.memref_slice %arg6[%dma_wait3A_244, %dma_wait3A_245] : memref<512x128xf32, #tpu.memory_space<vmem>> -> memref<128x128xf32, #tpu.memory_space<vmem>>
    %dma_wait3A_247 = arith.constant 0 : i32
    %dma_wait3A_248 = tpu.memref_slice %arg5[%dma_wait3A_243, %dma_wait3A_247] : memref<20x128xi32, #tpu.memory_space<vmem>> -> memref<1x128xi32, #tpu.memory_space<vmem>>
    %dma_wait3A_249 = tpu.memref_squeeze %dma_wait3A_248 : memref<1x128xi32, #tpu.memory_space<vmem>> -> memref<128xi32, #tpu.memory_space<vmem>>
    %dma_wait3A_250 = arith.constant 0 : i32
    %dma_wait3A_251 = arith.constant 0 : i32
    %dma_wait3A_252 = tpu.memref_slice %arg3[%dma_wait3A_250, %dma_wait3A_251] : memref<500000x128xf32, #tpu.memory_space<hbm>> -> memref<500000x128xf32, #tpu.memory_space<hbm>>
    tpu.wait_indirect_dma semaphore(%arg7 : memref<!tpu.dma_semaphore, #tpu.memory_space<semaphore_mem>>) src(%dma_wait3A_252 : memref<500000x128xf32, #tpu.memory_space<hbm>>) dst(%dma_wait3A_246 : memref<128x128xf32, #tpu.memory_space<vmem>>)
    %dma_wait3A_253 = arith.constant 8 : i32
    %dma_wait3A_254 = arith.constant 0 : i32
    %dma_wait3A_255 = arith.constant 0 : i32
    %dma_wait3A_256 = tpu.memref_slice %arg6[%dma_wait3A_254, %dma_wait3A_255] : memref<512x128xf32, #tpu.memory_space<vmem>> -> memref<128x128xf32, #tpu.memory_space<vmem>>
    %dma_wait3A_257 = arith.constant 0 : i32
    %dma_wait3A_258 = tpu.memref_slice %arg5[%dma_wait3A_253, %dma_wait3A_257] : memref<20x128xi32, #tpu.memory_space<vmem>> -> memref<1x128xi32, #tpu.memory_space<vmem>>
    %dma_wait3A_259 = tpu.memref_squeeze %dma_wait3A_258 : memref<1x128xi32, #tpu.memory_space<vmem>> -> memref<128xi32, #tpu.memory_space<vmem>>
    %dma_wait3A_260 = arith.constant 0 : i32
    %dma_wait3A_261 = arith.constant 0 : i32
    %dma_wait3A_262 = tpu.memref_slice %arg3[%dma_wait3A_260, %dma_wait3A_261] : memref<500000x128xf32, #tpu.memory_space<hbm>> -> memref<500000x128xf32, #tpu.memory_space<hbm>>
    tpu.wait_indirect_dma semaphore(%arg7 : memref<!tpu.dma_semaphore, #tpu.memory_space<semaphore_mem>>) src(%dma_wait3A_262 : memref<500000x128xf32, #tpu.memory_space<hbm>>) dst(%dma_wait3A_256 : memref<128x128xf32, #tpu.memory_space<vmem>>)
    %dma_wait3A_263 = arith.constant 12 : i32
    %dma_wait3A_264 = arith.constant 0 : i32
    %dma_wait3A_265 = arith.constant 0 : i32
    %dma_wait3A_266 = tpu.memref_slice %arg6[%dma_wait3A_264, %dma_wait3A_265] : memref<512x128xf32, #tpu.memory_space<vmem>> -> memref<128x128xf32, #tpu.memory_space<vmem>>
    %dma_wait3A_267 = arith.constant 0 : i32
    %dma_wait3A_268 = tpu.memref_slice %arg5[%dma_wait3A_263, %dma_wait3A_267] : memref<20x128xi32, #tpu.memory_space<vmem>> -> memref<1x128xi32, #tpu.memory_space<vmem>>
    %dma_wait3A_269 = tpu.memref_squeeze %dma_wait3A_268 : memref<1x128xi32, #tpu.memory_space<vmem>> -> memref<128xi32, #tpu.memory_space<vmem>>
    %dma_wait3A_270 = arith.constant 0 : i32
    %dma_wait3A_271 = arith.constant 0 : i32
    %dma_wait3A_272 = tpu.memref_slice %arg3[%dma_wait3A_270, %dma_wait3A_271] : memref<500000x128xf32, #tpu.memory_space<hbm>> -> memref<500000x128xf32, #tpu.memory_space<hbm>>
    tpu.wait_indirect_dma semaphore(%arg7 : memref<!tpu.dma_semaphore, #tpu.memory_space<semaphore_mem>>) src(%dma_wait3A_272 : memref<500000x128xf32, #tpu.memory_space<hbm>>) dst(%dma_wait3A_266 : memref<128x128xf32, #tpu.memory_space<vmem>>)
    %dma_wait3A_273 = arith.constant 16 : i32
    %dma_wait3A_274 = arith.constant 0 : i32
    %dma_wait3A_275 = arith.constant 0 : i32
    %dma_wait3A_276 = tpu.memref_slice %arg6[%dma_wait3A_274, %dma_wait3A_275] : memref<512x128xf32, #tpu.memory_space<vmem>> -> memref<128x128xf32, #tpu.memory_space<vmem>>
    %dma_wait3A_277 = arith.constant 0 : i32
    %dma_wait3A_278 = tpu.memref_slice %arg5[%dma_wait3A_273, %dma_wait3A_277] : memref<20x128xi32, #tpu.memory_space<vmem>> -> memref<1x128xi32, #tpu.memory_space<vmem>>
    %dma_wait3A_279 = tpu.memref_squeeze %dma_wait3A_278 : memref<1x128xi32, #tpu.memory_space<vmem>> -> memref<128xi32, #tpu.memory_space<vmem>>
    %dma_wait3A_280 = arith.constant 0 : i32
    %dma_wait3A_281 = arith.constant 0 : i32
    %dma_wait3A_282 = tpu.memref_slice %arg3[%dma_wait3A_280, %dma_wait3A_281] : memref<500000x128xf32, #tpu.memory_space<hbm>> -> memref<500000x128xf32, #tpu.memory_space<hbm>>
    tpu.wait_indirect_dma semaphore(%arg7 : memref<!tpu.dma_semaphore, #tpu.memory_space<semaphore_mem>>) src(%dma_wait3A_282 : memref<500000x128xf32, #tpu.memory_space<hbm>>) dst(%dma_wait3A_276 : memref<128x128xf32, #tpu.memory_space<vmem>>)
    %mul3A_283 = arith.constant 512 : i32
    %mul3A_284 = arith.muli %add3A, %mul3A_283 : i32
    %add3A_285 = arith.constant 0 : i32
    %add3A_286 = arith.addi %mul3A_284, %add3A_285 : i32
    %dma_start3A_287 = arith.constant 0 : i32
    %dma_start3A_288 = arith.constant 0 : i32
    %dma_start3A_289 = tpu.memref_slice %arg6[%dma_start3A_287, %dma_start3A_288] : memref<512x128xf32, #tpu.memory_space<vmem>> -> memref<128x128xf32, #tpu.memory_space<vmem>>
    %dma_start3A_290 = arith.constant 0 : i32
    %dma_start3A_291 = tpu.memref_slice %arg4[%add3A_286, %dma_start3A_290] : memref<16384x128xf32, #tpu.memory_space<hbm>> -> memref<128x128xf32, #tpu.memory_space<hbm>>
    %dma_start3A_292 = arith.constant 0 : i32
    %dma_start3A_293 = tpu.memref_slice %arg4[%add3A_286, %dma_start3A_292] : memref<16384x128xf32, #tpu.memory_space<hbm>> -> memref<128x128xf32, #tpu.memory_space<hbm>>
    %dma_start3A_294 = arith.constant 0 : i32
    %dma_start3A_295 = arith.constant 0 : i32
    %dma_start3A_296 = tpu.memref_slice %arg6[%dma_start3A_294, %dma_start3A_295] : memref<512x128xf32, #tpu.memory_space<vmem>> -> memref<128x128xf32, #tpu.memory_space<vmem>>
    tpu.enqueue_dma source(%dma_start3A_296 : memref<128x128xf32, #tpu.memory_space<vmem>>) target(%dma_start3A_293 : memref<128x128xf32, #tpu.memory_space<hbm>>) target_semaphore(%arg11 : memref<!tpu.dma_semaphore, #tpu.memory_space<semaphore_mem>>)
    %dma_wait3A_297 = arith.constant 5 : i32
    %dma_wait3A_298 = arith.constant 128 : i32
    %dma_wait3A_299 = arith.constant 0 : i32
    %dma_wait3A_300 = tpu.memref_slice %arg6[%dma_wait3A_298, %dma_wait3A_299] : memref<512x128xf32, #tpu.memory_space<vmem>> -> memref<128x128xf32, #tpu.memory_space<vmem>>
    %dma_wait3A_301 = arith.constant 0 : i32
    %dma_wait3A_302 = tpu.memref_slice %arg5[%dma_wait3A_297, %dma_wait3A_301] : memref<20x128xi32, #tpu.memory_space<vmem>> -> memref<1x128xi32, #tpu.memory_space<vmem>>
    %dma_wait3A_303 = tpu.memref_squeeze %dma_wait3A_302 : memref<1x128xi32, #tpu.memory_space<vmem>> -> memref<128xi32, #tpu.memory_space<vmem>>
    %dma_wait3A_304 = arith.constant 0 : i32
    %dma_wait3A_305 = arith.constant 0 : i32
    %dma_wait3A_306 = tpu.memref_slice %arg3[%dma_wait3A_304, %dma_wait3A_305] : memref<500000x128xf32, #tpu.memory_space<hbm>> -> memref<500000x128xf32, #tpu.memory_space<hbm>>
    tpu.wait_indirect_dma semaphore(%arg8 : memref<!tpu.dma_semaphore, #tpu.memory_space<semaphore_mem>>) src(%dma_wait3A_306 : memref<500000x128xf32, #tpu.memory_space<hbm>>) dst(%dma_wait3A_300 : memref<128x128xf32, #tpu.memory_space<vmem>>)
    %dma_wait3A_307 = arith.constant 9 : i32
    %dma_wait3A_308 = arith.constant 128 : i32
    %dma_wait3A_309 = arith.constant 0 : i32
    %dma_wait3A_310 = tpu.memref_slice %arg6[%dma_wait3A_308, %dma_wait3A_309] : memref<512x128xf32, #tpu.memory_space<vmem>> -> memref<128x128xf32, #tpu.memory_space<vmem>>
    %dma_wait3A_311 = arith.constant 0 : i32
    %dma_wait3A_312 = tpu.memref_slice %arg5[%dma_wait3A_307, %dma_wait3A_311] : memref<20x128xi32, #tpu.memory_space<vmem>> -> memref<1x128xi32, #tpu.memory_space<vmem>>
    %dma_wait3A_313 = tpu.memref_squeeze %dma_wait3A_312 : memref<1x128xi32, #tpu.memory_space<vmem>> -> memref<128xi32, #tpu.memory_space<vmem>>
    %dma_wait3A_314 = arith.constant 0 : i32
    %dma_wait3A_315 = arith.constant 0 : i32
    %dma_wait3A_316 = tpu.memref_slice %arg3[%dma_wait3A_314, %dma_wait3A_315] : memref<500000x128xf32, #tpu.memory_space<hbm>> -> memref<500000x128xf32, #tpu.memory_space<hbm>>
    tpu.wait_indirect_dma semaphore(%arg8 : memref<!tpu.dma_semaphore, #tpu.memory_space<semaphore_mem>>) src(%dma_wait3A_316 : memref<500000x128xf32, #tpu.memory_space<hbm>>) dst(%dma_wait3A_310 : memref<128x128xf32, #tpu.memory_space<vmem>>)
    %dma_wait3A_317 = arith.constant 13 : i32
    %dma_wait3A_318 = arith.constant 128 : i32
    %dma_wait3A_319 = arith.constant 0 : i32
    %dma_wait3A_320 = tpu.memref_slice %arg6[%dma_wait3A_318, %dma_wait3A_319] : memref<512x128xf32, #tpu.memory_space<vmem>> -> memref<128x128xf32, #tpu.memory_space<vmem>>
    %dma_wait3A_321 = arith.constant 0 : i32
    %dma_wait3A_322 = tpu.memref_slice %arg5[%dma_wait3A_317, %dma_wait3A_321] : memref<20x128xi32, #tpu.memory_space<vmem>> -> memref<1x128xi32, #tpu.memory_space<vmem>>
    %dma_wait3A_323 = tpu.memref_squeeze %dma_wait3A_322 : memref<1x128xi32, #tpu.memory_space<vmem>> -> memref<128xi32, #tpu.memory_space<vmem>>
    %dma_wait3A_324 = arith.constant 0 : i32
    %dma_wait3A_325 = arith.constant 0 : i32
    %dma_wait3A_326 = tpu.memref_slice %arg3[%dma_wait3A_324, %dma_wait3A_325] : memref<500000x128xf32, #tpu.memory_space<hbm>> -> memref<500000x128xf32, #tpu.memory_space<hbm>>
    tpu.wait_indirect_dma semaphore(%arg8 : memref<!tpu.dma_semaphore, #tpu.memory_space<semaphore_mem>>) src(%dma_wait3A_326 : memref<500000x128xf32, #tpu.memory_space<hbm>>) dst(%dma_wait3A_320 : memref<128x128xf32, #tpu.memory_space<vmem>>)
    %dma_wait3A_327 = arith.constant 17 : i32
    %dma_wait3A_328 = arith.constant 128 : i32
    %dma_wait3A_329 = arith.constant 0 : i32
    %dma_wait3A_330 = tpu.memref_slice %arg6[%dma_wait3A_328, %dma_wait3A_329] : memref<512x128xf32, #tpu.memory_space<vmem>> -> memref<128x128xf32, #tpu.memory_space<vmem>>
    %dma_wait3A_331 = arith.constant 0 : i32
    %dma_wait3A_332 = tpu.memref_slice %arg5[%dma_wait3A_327, %dma_wait3A_331] : memref<20x128xi32, #tpu.memory_space<vmem>> -> memref<1x128xi32, #tpu.memory_space<vmem>>
    %dma_wait3A_333 = tpu.memref_squeeze %dma_wait3A_332 : memref<1x128xi32, #tpu.memory_space<vmem>> -> memref<128xi32, #tpu.memory_space<vmem>>
    %dma_wait3A_334 = arith.constant 0 : i32
    %dma_wait3A_335 = arith.constant 0 : i32
    %dma_wait3A_336 = tpu.memref_slice %arg3[%dma_wait3A_334, %dma_wait3A_335] : memref<500000x128xf32, #tpu.memory_space<hbm>> -> memref<500000x128xf32, #tpu.memory_space<hbm>>
    tpu.wait_indirect_dma semaphore(%arg8 : memref<!tpu.dma_semaphore, #tpu.memory_space<semaphore_mem>>) src(%dma_wait3A_336 : memref<500000x128xf32, #tpu.memory_space<hbm>>) dst(%dma_wait3A_330 : memref<128x128xf32, #tpu.memory_space<vmem>>)
    %mul3A_337 = arith.constant 512 : i32
    %mul3A_338 = arith.muli %add3A, %mul3A_337 : i32
    %add3A_339 = arith.constant 128 : i32
    %add3A_340 = arith.addi %mul3A_338, %add3A_339 : i32
    %dma_start3A_341 = arith.constant 128 : i32
    %dma_start3A_342 = arith.constant 0 : i32
    %dma_start3A_343 = tpu.memref_slice %arg6[%dma_start3A_341, %dma_start3A_342] : memref<512x128xf32, #tpu.memory_space<vmem>> -> memref<128x128xf32, #tpu.memory_space<vmem>>
    %dma_start3A_344 = arith.constant 0 : i32
    %dma_start3A_345 = tpu.memref_slice %arg4[%add3A_340, %dma_start3A_344] : memref<16384x128xf32, #tpu.memory_space<hbm>> -> memref<128x128xf32, #tpu.memory_space<hbm>>
    %dma_start3A_346 = arith.constant 0 : i32
    %dma_start3A_347 = tpu.memref_slice %arg4[%add3A_340, %dma_start3A_346] : memref<16384x128xf32, #tpu.memory_space<hbm>> -> memref<128x128xf32, #tpu.memory_space<hbm>>
    %dma_start3A_348 = arith.constant 128 : i32
    %dma_start3A_349 = arith.constant 0 : i32
    %dma_start3A_350 = tpu.memref_slice %arg6[%dma_start3A_348, %dma_start3A_349] : memref<512x128xf32, #tpu.memory_space<vmem>> -> memref<128x128xf32, #tpu.memory_space<vmem>>
    tpu.enqueue_dma source(%dma_start3A_350 : memref<128x128xf32, #tpu.memory_space<vmem>>) target(%dma_start3A_347 : memref<128x128xf32, #tpu.memory_space<hbm>>) target_semaphore(%arg11 : memref<!tpu.dma_semaphore, #tpu.memory_space<semaphore_mem>>)
    %dma_wait3A_351 = arith.constant 6 : i32
    %dma_wait3A_352 = arith.constant 256 : i32
    %dma_wait3A_353 = arith.constant 0 : i32
    %dma_wait3A_354 = tpu.memref_slice %arg6[%dma_wait3A_352, %dma_wait3A_353] : memref<512x128xf32, #tpu.memory_space<vmem>> -> memref<128x128xf32, #tpu.memory_space<vmem>>
    %dma_wait3A_355 = arith.constant 0 : i32
    %dma_wait3A_356 = tpu.memref_slice %arg5[%dma_wait3A_351, %dma_wait3A_355] : memref<20x128xi32, #tpu.memory_space<vmem>> -> memref<1x128xi32, #tpu.memory_space<vmem>>
    %dma_wait3A_357 = tpu.memref_squeeze %dma_wait3A_356 : memref<1x128xi32, #tpu.memory_space<vmem>> -> memref<128xi32, #tpu.memory_space<vmem>>
    %dma_wait3A_358 = arith.constant 0 : i32
    %dma_wait3A_359 = arith.constant 0 : i32
    %dma_wait3A_360 = tpu.memref_slice %arg3[%dma_wait3A_358, %dma_wait3A_359] : memref<500000x128xf32, #tpu.memory_space<hbm>> -> memref<500000x128xf32, #tpu.memory_space<hbm>>
    tpu.wait_indirect_dma semaphore(%arg9 : memref<!tpu.dma_semaphore, #tpu.memory_space<semaphore_mem>>) src(%dma_wait3A_360 : memref<500000x128xf32, #tpu.memory_space<hbm>>) dst(%dma_wait3A_354 : memref<128x128xf32, #tpu.memory_space<vmem>>)
    %dma_wait3A_361 = arith.constant 10 : i32
    %dma_wait3A_362 = arith.constant 256 : i32
    %dma_wait3A_363 = arith.constant 0 : i32
    %dma_wait3A_364 = tpu.memref_slice %arg6[%dma_wait3A_362, %dma_wait3A_363] : memref<512x128xf32, #tpu.memory_space<vmem>> -> memref<128x128xf32, #tpu.memory_space<vmem>>
    %dma_wait3A_365 = arith.constant 0 : i32
    %dma_wait3A_366 = tpu.memref_slice %arg5[%dma_wait3A_361, %dma_wait3A_365] : memref<20x128xi32, #tpu.memory_space<vmem>> -> memref<1x128xi32, #tpu.memory_space<vmem>>
    %dma_wait3A_367 = tpu.memref_squeeze %dma_wait3A_366 : memref<1x128xi32, #tpu.memory_space<vmem>> -> memref<128xi32, #tpu.memory_space<vmem>>
    %dma_wait3A_368 = arith.constant 0 : i32
    %dma_wait3A_369 = arith.constant 0 : i32
    %dma_wait3A_370 = tpu.memref_slice %arg3[%dma_wait3A_368, %dma_wait3A_369] : memref<500000x128xf32, #tpu.memory_space<hbm>> -> memref<500000x128xf32, #tpu.memory_space<hbm>>
    tpu.wait_indirect_dma semaphore(%arg9 : memref<!tpu.dma_semaphore, #tpu.memory_space<semaphore_mem>>) src(%dma_wait3A_370 : memref<500000x128xf32, #tpu.memory_space<hbm>>) dst(%dma_wait3A_364 : memref<128x128xf32, #tpu.memory_space<vmem>>)
    %dma_wait3A_371 = arith.constant 14 : i32
    %dma_wait3A_372 = arith.constant 256 : i32
    %dma_wait3A_373 = arith.constant 0 : i32
    %dma_wait3A_374 = tpu.memref_slice %arg6[%dma_wait3A_372, %dma_wait3A_373] : memref<512x128xf32, #tpu.memory_space<vmem>> -> memref<128x128xf32, #tpu.memory_space<vmem>>
    %dma_wait3A_375 = arith.constant 0 : i32
    %dma_wait3A_376 = tpu.memref_slice %arg5[%dma_wait3A_371, %dma_wait3A_375] : memref<20x128xi32, #tpu.memory_space<vmem>> -> memref<1x128xi32, #tpu.memory_space<vmem>>
    %dma_wait3A_377 = tpu.memref_squeeze %dma_wait3A_376 : memref<1x128xi32, #tpu.memory_space<vmem>> -> memref<128xi32, #tpu.memory_space<vmem>>
    %dma_wait3A_378 = arith.constant 0 : i32
    %dma_wait3A_379 = arith.constant 0 : i32
    %dma_wait3A_380 = tpu.memref_slice %arg3[%dma_wait3A_378, %dma_wait3A_379] : memref<500000x128xf32, #tpu.memory_space<hbm>> -> memref<500000x128xf32, #tpu.memory_space<hbm>>
    tpu.wait_indirect_dma semaphore(%arg9 : memref<!tpu.dma_semaphore, #tpu.memory_space<semaphore_mem>>) src(%dma_wait3A_380 : memref<500000x128xf32, #tpu.memory_space<hbm>>) dst(%dma_wait3A_374 : memref<128x128xf32, #tpu.memory_space<vmem>>)
    %dma_wait3A_381 = arith.constant 18 : i32
    %dma_wait3A_382 = arith.constant 256 : i32
    %dma_wait3A_383 = arith.constant 0 : i32
    %dma_wait3A_384 = tpu.memref_slice %arg6[%dma_wait3A_382, %dma_wait3A_383] : memref<512x128xf32, #tpu.memory_space<vmem>> -> memref<128x128xf32, #tpu.memory_space<vmem>>
    %dma_wait3A_385 = arith.constant 0 : i32
    %dma_wait3A_386 = tpu.memref_slice %arg5[%dma_wait3A_381, %dma_wait3A_385] : memref<20x128xi32, #tpu.memory_space<vmem>> -> memref<1x128xi32, #tpu.memory_space<vmem>>
    %dma_wait3A_387 = tpu.memref_squeeze %dma_wait3A_386 : memref<1x128xi32, #tpu.memory_space<vmem>> -> memref<128xi32, #tpu.memory_space<vmem>>
    %dma_wait3A_388 = arith.constant 0 : i32
    %dma_wait3A_389 = arith.constant 0 : i32
    %dma_wait3A_390 = tpu.memref_slice %arg3[%dma_wait3A_388, %dma_wait3A_389] : memref<500000x128xf32, #tpu.memory_space<hbm>> -> memref<500000x128xf32, #tpu.memory_space<hbm>>
    tpu.wait_indirect_dma semaphore(%arg9 : memref<!tpu.dma_semaphore, #tpu.memory_space<semaphore_mem>>) src(%dma_wait3A_390 : memref<500000x128xf32, #tpu.memory_space<hbm>>) dst(%dma_wait3A_384 : memref<128x128xf32, #tpu.memory_space<vmem>>)
    %mul3A_391 = arith.constant 512 : i32
    %mul3A_392 = arith.muli %add3A, %mul3A_391 : i32
    %add3A_393 = arith.constant 256 : i32
    %add3A_394 = arith.addi %mul3A_392, %add3A_393 : i32
    %dma_start3A_395 = arith.constant 256 : i32
    %dma_start3A_396 = arith.constant 0 : i32
    %dma_start3A_397 = tpu.memref_slice %arg6[%dma_start3A_395, %dma_start3A_396] : memref<512x128xf32, #tpu.memory_space<vmem>> -> memref<128x128xf32, #tpu.memory_space<vmem>>
    %dma_start3A_398 = arith.constant 0 : i32
    %dma_start3A_399 = tpu.memref_slice %arg4[%add3A_394, %dma_start3A_398] : memref<16384x128xf32, #tpu.memory_space<hbm>> -> memref<128x128xf32, #tpu.memory_space<hbm>>
    %dma_start3A_400 = arith.constant 0 : i32
    %dma_start3A_401 = tpu.memref_slice %arg4[%add3A_394, %dma_start3A_400] : memref<16384x128xf32, #tpu.memory_space<hbm>> -> memref<128x128xf32, #tpu.memory_space<hbm>>
    %dma_start3A_402 = arith.constant 256 : i32
    %dma_start3A_403 = arith.constant 0 : i32
    %dma_start3A_404 = tpu.memref_slice %arg6[%dma_start3A_402, %dma_start3A_403] : memref<512x128xf32, #tpu.memory_space<vmem>> -> memref<128x128xf32, #tpu.memory_space<vmem>>
    tpu.enqueue_dma source(%dma_start3A_404 : memref<128x128xf32, #tpu.memory_space<vmem>>) target(%dma_start3A_401 : memref<128x128xf32, #tpu.memory_space<hbm>>) target_semaphore(%arg11 : memref<!tpu.dma_semaphore, #tpu.memory_space<semaphore_mem>>)
    %dma_wait3A_405 = arith.constant 7 : i32
    %dma_wait3A_406 = arith.constant 384 : i32
    %dma_wait3A_407 = arith.constant 0 : i32
    %dma_wait3A_408 = tpu.memref_slice %arg6[%dma_wait3A_406, %dma_wait3A_407] : memref<512x128xf32, #tpu.memory_space<vmem>> -> memref<128x128xf32, #tpu.memory_space<vmem>>
    %dma_wait3A_409 = arith.constant 0 : i32
    %dma_wait3A_410 = tpu.memref_slice %arg5[%dma_wait3A_405, %dma_wait3A_409] : memref<20x128xi32, #tpu.memory_space<vmem>> -> memref<1x128xi32, #tpu.memory_space<vmem>>
    %dma_wait3A_411 = tpu.memref_squeeze %dma_wait3A_410 : memref<1x128xi32, #tpu.memory_space<vmem>> -> memref<128xi32, #tpu.memory_space<vmem>>
    %dma_wait3A_412 = arith.constant 0 : i32
    %dma_wait3A_413 = arith.constant 0 : i32
    %dma_wait3A_414 = tpu.memref_slice %arg3[%dma_wait3A_412, %dma_wait3A_413] : memref<500000x128xf32, #tpu.memory_space<hbm>> -> memref<500000x128xf32, #tpu.memory_space<hbm>>
    tpu.wait_indirect_dma semaphore(%arg10 : memref<!tpu.dma_semaphore, #tpu.memory_space<semaphore_mem>>) src(%dma_wait3A_414 : memref<500000x128xf32, #tpu.memory_space<hbm>>) dst(%dma_wait3A_408 : memref<128x128xf32, #tpu.memory_space<vmem>>)
    %dma_wait3A_415 = arith.constant 11 : i32
    %dma_wait3A_416 = arith.constant 384 : i32
    %dma_wait3A_417 = arith.constant 0 : i32
    %dma_wait3A_418 = tpu.memref_slice %arg6[%dma_wait3A_416, %dma_wait3A_417] : memref<512x128xf32, #tpu.memory_space<vmem>> -> memref<128x128xf32, #tpu.memory_space<vmem>>
    %dma_wait3A_419 = arith.constant 0 : i32
    %dma_wait3A_420 = tpu.memref_slice %arg5[%dma_wait3A_415, %dma_wait3A_419] : memref<20x128xi32, #tpu.memory_space<vmem>> -> memref<1x128xi32, #tpu.memory_space<vmem>>
    %dma_wait3A_421 = tpu.memref_squeeze %dma_wait3A_420 : memref<1x128xi32, #tpu.memory_space<vmem>> -> memref<128xi32, #tpu.memory_space<vmem>>
    %dma_wait3A_422 = arith.constant 0 : i32
    %dma_wait3A_423 = arith.constant 0 : i32
    %dma_wait3A_424 = tpu.memref_slice %arg3[%dma_wait3A_422, %dma_wait3A_423] : memref<500000x128xf32, #tpu.memory_space<hbm>> -> memref<500000x128xf32, #tpu.memory_space<hbm>>
    tpu.wait_indirect_dma semaphore(%arg10 : memref<!tpu.dma_semaphore, #tpu.memory_space<semaphore_mem>>) src(%dma_wait3A_424 : memref<500000x128xf32, #tpu.memory_space<hbm>>) dst(%dma_wait3A_418 : memref<128x128xf32, #tpu.memory_space<vmem>>)
    %dma_wait3A_425 = arith.constant 15 : i32
    %dma_wait3A_426 = arith.constant 384 : i32
    %dma_wait3A_427 = arith.constant 0 : i32
    %dma_wait3A_428 = tpu.memref_slice %arg6[%dma_wait3A_426, %dma_wait3A_427] : memref<512x128xf32, #tpu.memory_space<vmem>> -> memref<128x128xf32, #tpu.memory_space<vmem>>
    %dma_wait3A_429 = arith.constant 0 : i32
    %dma_wait3A_430 = tpu.memref_slice %arg5[%dma_wait3A_425, %dma_wait3A_429] : memref<20x128xi32, #tpu.memory_space<vmem>> -> memref<1x128xi32, #tpu.memory_space<vmem>>
    %dma_wait3A_431 = tpu.memref_squeeze %dma_wait3A_430 : memref<1x128xi32, #tpu.memory_space<vmem>> -> memref<128xi32, #tpu.memory_space<vmem>>
    %dma_wait3A_432 = arith.constant 0 : i32
    %dma_wait3A_433 = arith.constant 0 : i32
    %dma_wait3A_434 = tpu.memref_slice %arg3[%dma_wait3A_432, %dma_wait3A_433] : memref<500000x128xf32, #tpu.memory_space<hbm>> -> memref<500000x128xf32, #tpu.memory_space<hbm>>
    tpu.wait_indirect_dma semaphore(%arg10 : memref<!tpu.dma_semaphore, #tpu.memory_space<semaphore_mem>>) src(%dma_wait3A_434 : memref<500000x128xf32, #tpu.memory_space<hbm>>) dst(%dma_wait3A_428 : memref<128x128xf32, #tpu.memory_space<vmem>>)
    %dma_wait3A_435 = arith.constant 19 : i32
    %dma_wait3A_436 = arith.constant 384 : i32
    %dma_wait3A_437 = arith.constant 0 : i32
    %dma_wait3A_438 = tpu.memref_slice %arg6[%dma_wait3A_436, %dma_wait3A_437] : memref<512x128xf32, #tpu.memory_space<vmem>> -> memref<128x128xf32, #tpu.memory_space<vmem>>
    %dma_wait3A_439 = arith.constant 0 : i32
    %dma_wait3A_440 = tpu.memref_slice %arg5[%dma_wait3A_435, %dma_wait3A_439] : memref<20x128xi32, #tpu.memory_space<vmem>> -> memref<1x128xi32, #tpu.memory_space<vmem>>
    %dma_wait3A_441 = tpu.memref_squeeze %dma_wait3A_440 : memref<1x128xi32, #tpu.memory_space<vmem>> -> memref<128xi32, #tpu.memory_space<vmem>>
    %dma_wait3A_442 = arith.constant 0 : i32
    %dma_wait3A_443 = arith.constant 0 : i32
    %dma_wait3A_444 = tpu.memref_slice %arg3[%dma_wait3A_442, %dma_wait3A_443] : memref<500000x128xf32, #tpu.memory_space<hbm>> -> memref<500000x128xf32, #tpu.memory_space<hbm>>
    tpu.wait_indirect_dma semaphore(%arg10 : memref<!tpu.dma_semaphore, #tpu.memory_space<semaphore_mem>>) src(%dma_wait3A_444 : memref<500000x128xf32, #tpu.memory_space<hbm>>) dst(%dma_wait3A_438 : memref<128x128xf32, #tpu.memory_space<vmem>>)
    %mul3A_445 = arith.constant 512 : i32
    %mul3A_446 = arith.muli %add3A, %mul3A_445 : i32
    %add3A_447 = arith.constant 384 : i32
    %add3A_448 = arith.addi %mul3A_446, %add3A_447 : i32
    %dma_start3A_449 = arith.constant 384 : i32
    %dma_start3A_450 = arith.constant 0 : i32
    %dma_start3A_451 = tpu.memref_slice %arg6[%dma_start3A_449, %dma_start3A_450] : memref<512x128xf32, #tpu.memory_space<vmem>> -> memref<128x128xf32, #tpu.memory_space<vmem>>
    %dma_start3A_452 = arith.constant 0 : i32
    %dma_start3A_453 = tpu.memref_slice %arg4[%add3A_448, %dma_start3A_452] : memref<16384x128xf32, #tpu.memory_space<hbm>> -> memref<128x128xf32, #tpu.memory_space<hbm>>
    %dma_start3A_454 = arith.constant 0 : i32
    %dma_start3A_455 = tpu.memref_slice %arg4[%add3A_448, %dma_start3A_454] : memref<16384x128xf32, #tpu.memory_space<hbm>> -> memref<128x128xf32, #tpu.memory_space<hbm>>
    %dma_start3A_456 = arith.constant 384 : i32
    %dma_start3A_457 = arith.constant 0 : i32
    %dma_start3A_458 = tpu.memref_slice %arg6[%dma_start3A_456, %dma_start3A_457] : memref<512x128xf32, #tpu.memory_space<vmem>> -> memref<128x128xf32, #tpu.memory_space<vmem>>
    tpu.enqueue_dma source(%dma_start3A_458 : memref<128x128xf32, #tpu.memory_space<vmem>>) target(%dma_start3A_455 : memref<128x128xf32, #tpu.memory_space<hbm>>) target_semaphore(%arg11 : memref<!tpu.dma_semaphore, #tpu.memory_space<semaphore_mem>>)
    %dma_wait3A_459 = arith.constant 0 : i32
    %dma_wait3A_460 = arith.constant 0 : i32
    %dma_wait3A_461 = tpu.memref_slice %arg6[%dma_wait3A_459, %dma_wait3A_460] : memref<512x128xf32, #tpu.memory_space<vmem>> -> memref<128x128xf32, #tpu.memory_space<vmem>>
    %dma_wait3A_462 = arith.constant 0 : i32
    %dma_wait3A_463 = tpu.memref_slice %arg4[%add3A_286, %dma_wait3A_462] : memref<16384x128xf32, #tpu.memory_space<hbm>> -> memref<128x128xf32, #tpu.memory_space<hbm>>
    %dma_wait3A_464 = arith.constant 0 : i32
    %dma_wait3A_465 = tpu.memref_slice %arg4[%add3A_286, %dma_wait3A_464] : memref<16384x128xf32, #tpu.memory_space<hbm>> -> memref<128x128xf32, #tpu.memory_space<hbm>>
    %dma_wait3A_466 = arith.constant 0 : i32
    %dma_wait3A_467 = arith.constant 0 : i32
    %dma_wait3A_468 = tpu.memref_slice %arg6[%dma_wait3A_466, %dma_wait3A_467] : memref<512x128xf32, #tpu.memory_space<vmem>> -> memref<128x128xf32, #tpu.memory_space<vmem>>
    tpu.wait_dma2 semaphore(%arg11 : memref<!tpu.dma_semaphore, #tpu.memory_space<semaphore_mem>>) src(%dma_wait3A_468 : memref<128x128xf32, #tpu.memory_space<vmem>>) dst(%dma_wait3A_465 : memref<128x128xf32, #tpu.memory_space<hbm>>)
    %dma_wait3A_469 = arith.constant 128 : i32
    %dma_wait3A_470 = arith.constant 0 : i32
    %dma_wait3A_471 = tpu.memref_slice %arg6[%dma_wait3A_469, %dma_wait3A_470] : memref<512x128xf32, #tpu.memory_space<vmem>> -> memref<128x128xf32, #tpu.memory_space<vmem>>
    %dma_wait3A_472 = arith.constant 0 : i32
    %dma_wait3A_473 = tpu.memref_slice %arg4[%add3A_340, %dma_wait3A_472] : memref<16384x128xf32, #tpu.memory_space<hbm>> -> memref<128x128xf32, #tpu.memory_space<hbm>>
    %dma_wait3A_474 = arith.constant 0 : i32
    %dma_wait3A_475 = tpu.memref_slice %arg4[%add3A_340, %dma_wait3A_474] : memref<16384x128xf32, #tpu.memory_space<hbm>> -> memref<128x128xf32, #tpu.memory_space<hbm>>
    %dma_wait3A_476 = arith.constant 128 : i32
    %dma_wait3A_477 = arith.constant 0 : i32
    %dma_wait3A_478 = tpu.memref_slice %arg6[%dma_wait3A_476, %dma_wait3A_477] : memref<512x128xf32, #tpu.memory_space<vmem>> -> memref<128x128xf32, #tpu.memory_space<vmem>>
    tpu.wait_dma2 semaphore(%arg11 : memref<!tpu.dma_semaphore, #tpu.memory_space<semaphore_mem>>) src(%dma_wait3A_478 : memref<128x128xf32, #tpu.memory_space<vmem>>) dst(%dma_wait3A_475 : memref<128x128xf32, #tpu.memory_space<hbm>>)
    %dma_wait3A_479 = arith.constant 256 : i32
    %dma_wait3A_480 = arith.constant 0 : i32
    %dma_wait3A_481 = tpu.memref_slice %arg6[%dma_wait3A_479, %dma_wait3A_480] : memref<512x128xf32, #tpu.memory_space<vmem>> -> memref<128x128xf32, #tpu.memory_space<vmem>>
    %dma_wait3A_482 = arith.constant 0 : i32
    %dma_wait3A_483 = tpu.memref_slice %arg4[%add3A_394, %dma_wait3A_482] : memref<16384x128xf32, #tpu.memory_space<hbm>> -> memref<128x128xf32, #tpu.memory_space<hbm>>
    %dma_wait3A_484 = arith.constant 0 : i32
    %dma_wait3A_485 = tpu.memref_slice %arg4[%add3A_394, %dma_wait3A_484] : memref<16384x128xf32, #tpu.memory_space<hbm>> -> memref<128x128xf32, #tpu.memory_space<hbm>>
    %dma_wait3A_486 = arith.constant 256 : i32
    %dma_wait3A_487 = arith.constant 0 : i32
    %dma_wait3A_488 = tpu.memref_slice %arg6[%dma_wait3A_486, %dma_wait3A_487] : memref<512x128xf32, #tpu.memory_space<vmem>> -> memref<128x128xf32, #tpu.memory_space<vmem>>
    tpu.wait_dma2 semaphore(%arg11 : memref<!tpu.dma_semaphore, #tpu.memory_space<semaphore_mem>>) src(%dma_wait3A_488 : memref<128x128xf32, #tpu.memory_space<vmem>>) dst(%dma_wait3A_485 : memref<128x128xf32, #tpu.memory_space<hbm>>)
    %dma_wait3A_489 = arith.constant 384 : i32
    %dma_wait3A_490 = arith.constant 0 : i32
    %dma_wait3A_491 = tpu.memref_slice %arg6[%dma_wait3A_489, %dma_wait3A_490] : memref<512x128xf32, #tpu.memory_space<vmem>> -> memref<128x128xf32, #tpu.memory_space<vmem>>
    %dma_wait3A_492 = arith.constant 0 : i32
    %dma_wait3A_493 = tpu.memref_slice %arg4[%add3A_448, %dma_wait3A_492] : memref<16384x128xf32, #tpu.memory_space<hbm>> -> memref<128x128xf32, #tpu.memory_space<hbm>>
    %dma_wait3A_494 = arith.constant 0 : i32
    %dma_wait3A_495 = tpu.memref_slice %arg4[%add3A_448, %dma_wait3A_494] : memref<16384x128xf32, #tpu.memory_space<hbm>> -> memref<128x128xf32, #tpu.memory_space<hbm>>
    %dma_wait3A_496 = arith.constant 384 : i32
    %dma_wait3A_497 = arith.constant 0 : i32
    %dma_wait3A_498 = tpu.memref_slice %arg6[%dma_wait3A_496, %dma_wait3A_497] : memref<512x128xf32, #tpu.memory_space<vmem>> -> memref<128x128xf32, #tpu.memory_space<vmem>>
    tpu.wait_dma2 semaphore(%arg11 : memref<!tpu.dma_semaphore, #tpu.memory_space<semaphore_mem>>) src(%dma_wait3A_498 : memref<128x128xf32, #tpu.memory_space<vmem>>) dst(%dma_wait3A_495 : memref<128x128xf32, #tpu.memory_space<hbm>>)
    return
  }
}

module attributes {stable_mosaic.version = 14 : i64} {
  func.func @_project_body(%arg0: i32, %arg1: memref<32x8192xf32, #tpu.memory_space<vmem>>, %arg2: memref<32x8192xf32, #tpu.memory_space<vmem>>, %arg3: memref<32x8192xf32, #tpu.memory_space<vmem>>, %arg4: memref<32x8192xf32, #tpu.memory_space<vmem>>, %arg5: memref<32x8192xf32, #tpu.memory_space<vmem>>, %arg6: memref<5x32x128xf32, #tpu.memory_space<vmem>>, %arg7: memref<1x128xf32, #tpu.memory_space<vmem>>, %arg8: memref<5x8192x128xf32, #tpu.memory_space<vmem>>) attributes {dimension_semantics = [#tpu.dimension_semantics<arbitrary>], iteration_bounds = array<i64: 13>, scalar_prefetch = 0 : i64, scratch_operands = 0 : i64, tpu.core_type = #tpu.core_type<tc>, window_params = [{transform_indices = @transform_0, window_bounds = array<i64: 32, 8192>}, {transform_indices = @transform_1, window_bounds = array<i64: 32, 8192>}, {transform_indices = @transform_2, window_bounds = array<i64: 32, 8192>}, {transform_indices = @transform_3, window_bounds = array<i64: 32, 8192>}, {transform_indices = @transform_4, window_bounds = array<i64: 32, 8192>}, {pipeline_mode = #tpu.pipeline_mode<synchronous>, transform_indices = @transform_5, window_bounds = array<i64: 5, 32, 128>}, {pipeline_mode = #tpu.pipeline_mode<synchronous>, transform_indices = @transform_6, window_bounds = array<i64: 1, 128>}, {transform_indices = @transform_7, window_bounds = array<i64: 5, 8192, 128>}]} {
    %get3A = arith.constant 0 : index
    %get3A_0 = arith.constant 0 : index
    %get3A_1 = vector.load %arg1[%get3A, %get3A_0] : memref<32x8192xf32, #tpu.memory_space<vmem>>, vector<32x8192xf32>
    %convert_element_type3A = arith.truncf %get3A_1 : vector<32x8192xf32> to vector<32x8192xbf16>
    %get3A_2 = arith.constant 0 : index
    %get3A_3 = arith.constant 0 : index
    %get3A_4 = arith.constant 0 : index
    %get3A_5 = vector.load %arg6[%get3A_2, %get3A_3, %get3A_4] : memref<5x32x128xf32, #tpu.memory_space<vmem>>, vector<1x32x128xf32>
    %get3A_6 = vector.shape_cast %get3A_5 : vector<1x32x128xf32> to vector<32x128xf32>
    %convert_element_type3A_7 = arith.truncf %get3A_6 : vector<32x128xf32> to vector<32x128xbf16>
    %dot_general3A = arith.constant dense<0.000000e+00> : vector<8192x128xf32>
    %dot_general3A_8 = tpu.matmul %convert_element_type3A, %convert_element_type3A_7, %dot_general3A {dimension_numbers = #tpu.dot_dimension_numbers<[0], [0], [1], [1], [0, 1, 1, 1], [], []>, transpose_lhs_hint = false} : vector<32x8192xbf16>, vector<32x128xbf16>, vector<8192x128xf32> -> vector<8192x128xf32>
    %get3A_9 = arith.constant 0 : index
    %get3A_10 = arith.constant 0 : index
    %get3A_11 = vector.load %arg7[%get3A_9, %get3A_10] : memref<1x128xf32, #tpu.memory_space<vmem>>, vector<1x128xf32>
    %add3A = vector.broadcast %get3A_11 : vector<1x128xf32> to vector<8192x128xf32>
    %add3A_12 = arith.addf %dot_general3A_8, %add3A : vector<8192x128xf32>
    %swap3A = arith.constant 0 : index
    %swap3A_13 = arith.constant 0 : index
    %swap3A_14 = arith.constant 0 : index
    %swap3A_15 = vector.load %arg8[%swap3A, %swap3A_13, %swap3A_14] : memref<5x8192x128xf32, #tpu.memory_space<vmem>>, vector<1x8192x128xf32>
    %swap3A_16 = vector.shape_cast %swap3A_15 : vector<1x8192x128xf32> to vector<8192x128xf32>
    %swap3A_17 = vector.shape_cast %add3A_12 : vector<8192x128xf32> to vector<1x8192x128xf32>
    tpu.vector_store %arg8[%swap3A, %swap3A_13, %swap3A_14], %swap3A_17 {strides = array<i32>} : memref<5x8192x128xf32, #tpu.memory_space<vmem>>, vector<1x8192x128xf32>,
    %get3A_18 = arith.constant 0 : index
    %get3A_19 = arith.constant 0 : index
    %get3A_20 = vector.load %arg2[%get3A_18, %get3A_19] : memref<32x8192xf32, #tpu.memory_space<vmem>>, vector<32x8192xf32>
    %convert_element_type3A_21 = arith.truncf %get3A_20 : vector<32x8192xf32> to vector<32x8192xbf16>
    %get3A_22 = arith.constant 1 : index
    %get3A_23 = arith.constant 0 : index
    %get3A_24 = arith.constant 0 : index
    %get3A_25 = vector.load %arg6[%get3A_22, %get3A_23, %get3A_24] : memref<5x32x128xf32, #tpu.memory_space<vmem>>, vector<1x32x128xf32>
    %get3A_26 = vector.shape_cast %get3A_25 : vector<1x32x128xf32> to vector<32x128xf32>
    %convert_element_type3A_27 = arith.truncf %get3A_26 : vector<32x128xf32> to vector<32x128xbf16>
    %dot_general3A_28 = arith.constant dense<0.000000e+00> : vector<8192x128xf32>
    %dot_general3A_29 = tpu.matmul %convert_element_type3A_21, %convert_element_type3A_27, %dot_general3A_28 {dimension_numbers = #tpu.dot_dimension_numbers<[0], [0], [1], [1], [0, 1, 1, 1], [], []>, transpose_lhs_hint = false} : vector<32x8192xbf16>, vector<32x128xbf16>, vector<8192x128xf32> -> vector<8192x128xf32>
    %swap3A_30 = arith.constant 1 : index
    %swap3A_31 = arith.constant 0 : index
    %swap3A_32 = arith.constant 0 : index
    %swap3A_33 = vector.load %arg8[%swap3A_30, %swap3A_31, %swap3A_32] : memref<5x8192x128xf32, #tpu.memory_space<vmem>>, vector<1x8192x128xf32>
    %swap3A_34 = vector.shape_cast %swap3A_33 : vector<1x8192x128xf32> to vector<8192x128xf32>
    %swap3A_35 = vector.shape_cast %dot_general3A_29 : vector<8192x128xf32> to vector<1x8192x128xf32>
    tpu.vector_store %arg8[%swap3A_30, %swap3A_31, %swap3A_32], %swap3A_35 {strides = array<i32>} : memref<5x8192x128xf32, #tpu.memory_space<vmem>>, vector<1x8192x128xf32>,
    %get3A_36 = arith.constant 0 : index
    %get3A_37 = arith.constant 0 : index
    %get3A_38 = vector.load %arg3[%get3A_36, %get3A_37] : memref<32x8192xf32, #tpu.memory_space<vmem>>, vector<32x8192xf32>
    %convert_element_type3A_39 = arith.truncf %get3A_38 : vector<32x8192xf32> to vector<32x8192xbf16>
    %get3A_40 = arith.constant 2 : index
    %get3A_41 = arith.constant 0 : index
    %get3A_42 = arith.constant 0 : index
    %get3A_43 = vector.load %arg6[%get3A_40, %get3A_41, %get3A_42] : memref<5x32x128xf32, #tpu.memory_space<vmem>>, vector<1x32x128xf32>
    %get3A_44 = vector.shape_cast %get3A_43 : vector<1x32x128xf32> to vector<32x128xf32>
    %convert_element_type3A_45 = arith.truncf %get3A_44 : vector<32x128xf32> to vector<32x128xbf16>
    %dot_general3A_46 = arith.constant dense<0.000000e+00> : vector<8192x128xf32>
    %dot_general3A_47 = tpu.matmul %convert_element_type3A_39, %convert_element_type3A_45, %dot_general3A_46 {dimension_numbers = #tpu.dot_dimension_numbers<[0], [0], [1], [1], [0, 1, 1, 1], [], []>, transpose_lhs_hint = false} : vector<32x8192xbf16>, vector<32x128xbf16>, vector<8192x128xf32> -> vector<8192x128xf32>
    %swap3A_48 = arith.constant 2 : index
    %swap3A_49 = arith.constant 0 : index
    %swap3A_50 = arith.constant 0 : index
    %swap3A_51 = vector.load %arg8[%swap3A_48, %swap3A_49, %swap3A_50] : memref<5x8192x128xf32, #tpu.memory_space<vmem>>, vector<1x8192x128xf32>
    %swap3A_52 = vector.shape_cast %swap3A_51 : vector<1x8192x128xf32> to vector<8192x128xf32>
    %swap3A_53 = vector.shape_cast %dot_general3A_47 : vector<8192x128xf32> to vector<1x8192x128xf32>
    tpu.vector_store %arg8[%swap3A_48, %swap3A_49, %swap3A_50], %swap3A_53 {strides = array<i32>} : memref<5x8192x128xf32, #tpu.memory_space<vmem>>, vector<1x8192x128xf32>,
    %get3A_54 = arith.constant 0 : index
    %get3A_55 = arith.constant 0 : index
    %get3A_56 = vector.load %arg4[%get3A_54, %get3A_55] : memref<32x8192xf32, #tpu.memory_space<vmem>>, vector<32x8192xf32>
    %convert_element_type3A_57 = arith.truncf %get3A_56 : vector<32x8192xf32> to vector<32x8192xbf16>
    %get3A_58 = arith.constant 3 : index
    %get3A_59 = arith.constant 0 : index
    %get3A_60 = arith.constant 0 : index
    %get3A_61 = vector.load %arg6[%get3A_58, %get3A_59, %get3A_60] : memref<5x32x128xf32, #tpu.memory_space<vmem>>, vector<1x32x128xf32>
    %get3A_62 = vector.shape_cast %get3A_61 : vector<1x32x128xf32> to vector<32x128xf32>
    %convert_element_type3A_63 = arith.truncf %get3A_62 : vector<32x128xf32> to vector<32x128xbf16>
    %dot_general3A_64 = arith.constant dense<0.000000e+00> : vector<8192x128xf32>
    %dot_general3A_65 = tpu.matmul %convert_element_type3A_57, %convert_element_type3A_63, %dot_general3A_64 {dimension_numbers = #tpu.dot_dimension_numbers<[0], [0], [1], [1], [0, 1, 1, 1], [], []>, transpose_lhs_hint = false} : vector<32x8192xbf16>, vector<32x128xbf16>, vector<8192x128xf32> -> vector<8192x128xf32>
    %swap3A_66 = arith.constant 3 : index
    %swap3A_67 = arith.constant 0 : index
    %swap3A_68 = arith.constant 0 : index
    %swap3A_69 = vector.load %arg8[%swap3A_66, %swap3A_67, %swap3A_68] : memref<5x8192x128xf32, #tpu.memory_space<vmem>>, vector<1x8192x128xf32>
    %swap3A_70 = vector.shape_cast %swap3A_69 : vector<1x8192x128xf32> to vector<8192x128xf32>
    %swap3A_71 = vector.shape_cast %dot_general3A_65 : vector<8192x128xf32> to vector<1x8192x128xf32>
    tpu.vector_store %arg8[%swap3A_66, %swap3A_67, %swap3A_68], %swap3A_71 {strides = array<i32>} : memref<5x8192x128xf32, #tpu.memory_space<vmem>>, vector<1x8192x128xf32>,
    %get3A_72 = arith.constant 0 : index
    %get3A_73 = arith.constant 0 : index
    %get3A_74 = vector.load %arg5[%get3A_72, %get3A_73] : memref<32x8192xf32, #tpu.memory_space<vmem>>, vector<32x8192xf32>
    %convert_element_type3A_75 = arith.truncf %get3A_74 : vector<32x8192xf32> to vector<32x8192xbf16>
    %get3A_76 = arith.constant 4 : index
    %get3A_77 = arith.constant 0 : index
    %get3A_78 = arith.constant 0 : index
    %get3A_79 = vector.load %arg6[%get3A_76, %get3A_77, %get3A_78] : memref<5x32x128xf32, #tpu.memory_space<vmem>>, vector<1x32x128xf32>
    %get3A_80 = vector.shape_cast %get3A_79 : vector<1x32x128xf32> to vector<32x128xf32>
    %convert_element_type3A_81 = arith.truncf %get3A_80 : vector<32x128xf32> to vector<32x128xbf16>
    %dot_general3A_82 = arith.constant dense<0.000000e+00> : vector<8192x128xf32>
    %dot_general3A_83 = tpu.matmul %convert_element_type3A_75, %convert_element_type3A_81, %dot_general3A_82 {dimension_numbers = #tpu.dot_dimension_numbers<[0], [0], [1], [1], [0, 1, 1, 1], [], []>, transpose_lhs_hint = false} : vector<32x8192xbf16>, vector<32x128xbf16>, vector<8192x128xf32> -> vector<8192x128xf32>
    %swap3A_84 = arith.constant 4 : index
    %swap3A_85 = arith.constant 0 : index
    %swap3A_86 = arith.constant 0 : index
    %swap3A_87 = vector.load %arg8[%swap3A_84, %swap3A_85, %swap3A_86] : memref<5x8192x128xf32, #tpu.memory_space<vmem>>, vector<1x8192x128xf32>
    %swap3A_88 = vector.shape_cast %swap3A_87 : vector<1x8192x128xf32> to vector<8192x128xf32>
    %swap3A_89 = vector.shape_cast %dot_general3A_83 : vector<8192x128xf32> to vector<1x8192x128xf32>
    tpu.vector_store %arg8[%swap3A_84, %swap3A_85, %swap3A_86], %swap3A_89 {strides = array<i32>} : memref<5x8192x128xf32, #tpu.memory_space<vmem>>, vector<1x8192x128xf32>,
    return
  }
  func.func @transform_0(%arg0: i32) -> (i32, i32) {
    %c0_i32 = arith.constant 0 : i32
    %c0_i32_0 = arith.constant 0 : i32
    return %c0_i32, %arg0 : i32, i32
  }
  func.func @transform_1(%arg0: i32) -> (i32, i32) {
    %c0_i32 = arith.constant 0 : i32
    %c0_i32_0 = arith.constant 0 : i32
    return %c0_i32, %arg0 : i32, i32
  }
  func.func @transform_2(%arg0: i32) -> (i32, i32) {
    %c0_i32 = arith.constant 0 : i32
    %c0_i32_0 = arith.constant 0 : i32
    return %c0_i32, %arg0 : i32, i32
  }
  func.func @transform_3(%arg0: i32) -> (i32, i32) {
    %c0_i32 = arith.constant 0 : i32
    %c0_i32_0 = arith.constant 0 : i32
    return %c0_i32, %arg0 : i32, i32
  }
  func.func @transform_4(%arg0: i32) -> (i32, i32) {
    %c0_i32 = arith.constant 0 : i32
    %c0_i32_0 = arith.constant 0 : i32
    return %c0_i32, %arg0 : i32, i32
  }
  func.func @transform_5(%arg0: i32) -> (i32, i32, i32) {
    %c0_i32 = arith.constant 0 : i32
    %c0_i32_0 = arith.constant 0 : i32
    %c0_i32_1 = arith.constant 0 : i32
    %c0_i32_2 = arith.constant 0 : i32
    return %c0_i32, %c0_i32_0, %c0_i32_1 : i32, i32, i32
  }
  func.func @transform_6(%arg0: i32) -> (i32, i32) {
    %c0_i32 = arith.constant 0 : i32
    %c0_i32_0 = arith.constant 0 : i32
    %c0_i32_1 = arith.constant 0 : i32
    return %c0_i32, %c0_i32_0 : i32, i32
  }
  func.func @transform_7(%arg0: i32) -> (i32, i32, i32) {
    %c0_i32 = arith.constant 0 : i32
    %c0_i32_0 = arith.constant 0 : i32
    %c0_i32_1 = arith.constant 0 : i32
    return %c0_i32, %arg0, %c0_i32_0 : i32, i32, i32
  }
}

</mosaic_0001>

<sc_bundles>
// kernel: kernel.4.cloned.1.call-start
scs
__scs_entry_jumppad:
0x0: {  	(pc) =	sbr.rel $0x88, $3  }
0x1: {  	(tag) =	ssettag $0x0;
	lr =	simm.s32 $0x1  }
0x2: {  	[smem:$0x3F99] =	sst lr;
	_ =	strace $0xD0000000  }
0x3: {  	_ = 	snop  }
0x4: {  	_ = 	snop  }
0x5: {  	_ = 	snop  }
0x6: {  	_ = 	snop  }
0x7: {  	_ = 	snop  }
__scs_overlays_trampoline_lowered:
0x8: {  	[smem:$0x3FA8] =	sst s0  }
0x9: {  	[smem:$0x3FA9] =	sst s1  }
0xa: {  	[smem:$0x3FAA] =	sst s2  }
0xb: {  	[smem:$0x3FAB] =	sst s3  }
0xc: {  	[smem:$0x3FAC] =	sst s4  }
0xd: {  	[smem:$0x3FAD] =	sst s5  }
0xe: {  	[smem:$0x3FAE] =	sst s6  }
0xf: {  	[smem:$0x3FAF] =	sst s7  }
0x10: {  	[smem:$0x3FB0] =	sst s8  }
0x11: {  	[smem:$0x3FB1] =	sst s9;
	s0 =	simm.s32 @!p0 $0x0  }
0x12: {  	s1 =	sld [smem:$0x3F97];
	s0 =	simm.s32 @p0 $0x1  }
0x13: {  	[smem:$0x3FB2] =	sst s0;
	s0 =	simm.s32 @!p1 $0x0  }
0x14: {  	s2 =	sld [smem:$0x3F96];
	s0 =	simm.s32 @p1 $0x1  }
0x15: {  	[smem:$0x3FB3] =	sst s0;
	s0 =	simm.s32 @!p2 $0x0  }
0x16: {  	s3 =	sld [smem:$0x3FDB];
	s0 =	simm.s32 @p2 $0x1  }
0x17: {  	s4 =	simm.s32 $0x1BF5;
	[smem:$0x3FB5] =	sst s0  }
0x18: {  	s0 =	sld [smem:$0x3F98];
	_ =	swait.ge [sflag:s4], $0x0  }
0x19: {  	s7 =	sld [smem:$0x3F99]  }
0x1a: {  	s8 =	sadd.s32 $0xFFFFE003, lr  }
0x1b: {  	s9 =	sadd.s32 $0xFFFFFEF7, lr;
	s5 =	simm.s32 $0xFFFFFFFF;
	p2 =	slt.u32 s8, $0xFFFFF086  }
0x1c: {  	p1 =	slt.u32 s9, $0xF7A;
	s5 =	simm.s32 @!p2 $0x0  }
0x1d: {  	s5 =	simm.s32 @p1 $0x1;
	p0 =	seq.s32 s7, s2  }
0x1e: {  	s7 =	smul.u32 @!p0 $0xF7A, s2;
	p2 =	seq.s32 @!p0 s5, $0x0  }
0x1f: {  	s9 =	smul.u32 $0xF7A, s1;
	s8 =	simm.s32 @!p0 $0x1BF5;
	p2 =	por !p2, p0  }
0x20: {  	[sflag:s8] =	ssyncset.s32 @!p0 $0xFFFFF086;
	s6 =	sadd.s32 @!p0 s3, s7;
	s7 =	simm.s32 @!p0 $0x108  }
0x21: {  	s3 =	sadd.s32 s3, s9;
	s6 =	sadd.s32 @!p0 $0x88, s6;
	s7 =	simm.s32 @p2 $0x1082  }
0x22: {  	[simem:s7], [sflag:s8] =	dma.local @!p0 [hbm:s6], $0xF7A  }
0x23: {  	s9 =	sor.u32 $0xD0000000, s2;
	s6 =	simm.s32 $0x108;
	_ =	swait.ge @!p0 [sflag:s8], $0x0  }
0x24: {  	s3 =	sadd.s32 $0x88, s3;
	s6 =	simm.s32 @!p1 $0x1082;
	[sflag:s4] =	ssyncset.s32 $0xFFFFF086  }
0x25: {  	[simem:s6], [sflag:s4] =	dma.local [hbm:s3], $0xF7A  }
0x26: {  	[smem:$0x3F99] =	sst s1;
	(tag) =	ssettag s2;
	_ =	strace s9  }
0x27: {  	s1 =	sld [smem:$0x3FA9]  }
0x28: {  	s2 =	sld [smem:$0x3FAA]  }
0x29: {  	s4 =	sld [smem:$0x3FAC]  }
0x2a: {  	p0 =	seq.s32 s5, $0x0;
	s5 =	sld [smem:$0x3FAD]  }
0x2b: {  	s6 =	sld [smem:$0x3FAE]  }
0x2c: {  	s7 =	sld [smem:$0x3FAF]  }
0x2d: {  	s3 =	simm.s32 $0x108;
	s8 =	sld [smem:$0x3FB0]  }
0x2e: {  	s3 =	simm.s32 @!p0 $0x1082;
	s9 =	sld [smem:$0x3FB1]  }
0x2f: {  	lr =	sadd.s32 s0, s3;
	s0 =	sld [smem:$0x3FA8]  }
0x30: {  	s3 =	sld [smem:$0x3FAB]  }
0x31: {  	[smem:$0x3FB4] =	sst s10  }
0x32: {  	s10 =	sld [smem:$0x3FB2];
	_ =	sdelay $0x3  }
0x33: {  	p0 =	seq.s32 s10, $0x1;
	s10 =	sld [smem:$0x3FB4];
	_ =	sdelay $0x3  }
0x34: {  	[smem:$0x3FB4] =	sst s10  }
0x35: {  	s10 =	sld [smem:$0x3FB3];
	_ =	sdelay $0x3  }
0x36: {  	p1 =	seq.s32 s10, $0x1;
	s10 =	sld [smem:$0x3FB4];
	_ =	sdelay $0x3  }
0x37: {  	[smem:$0x3FB4] =	sst s10  }
0x38: {  	s10 =	sld [smem:$0x3FB5]  }
0x39: {  	_ = 	snop;
	(pc) =	sbr.ind lr, $3  }
0x3a: {  	_ = 	snop  }
0x3b: {  	_ = 	snop  }
0x3c: {  	p2 =	seq.s32 s10, $0x1;
	s10 =	sld [smem:$0x3FB4]  }
0x3d: {  	_ =	shalt  }
0x3e: {  	_ =	shalt  }
0x3f: {  	_ =	shalt  }
0x40: {  	_ =	shalt  }
0x41: {  	_ =	shalt  }
0x42: {  	_ =	shalt  }
0x43: {  	_ =	shalt  }
0x44: {  	_ =	shalt  }
0x45: {  	_ =	shalt  }
0x46: {  	_ =	shalt  }
0x47: {  	_ =	shalt  }
0x48: {  	_ =	shalt  }
0x49: {  	_ =	shalt  }
0x4a: {  	_ =	shalt  }
0x4b: {  	_ =	shalt  }
0x4c: {  	_ =	shalt  }
0x4d: {  	_ =	shalt  }
0x4e: {  	_ =	shalt  }
0x4f: {  	_ =	shalt  }
0x50: {  	_ =	shalt  }
0x51: {  	_ =	shalt  }
0x52: {  	_ =	shalt  }
0x53: {  	_ =	shalt  }
0x54: {  	_ =	shalt  }
0x55: {  	_ =	shalt  }
0x56: {  	_ =	shalt  }
0x57: {  	_ =	shalt  }
0x58: {  	_ =	shalt  }
0x59: {  	_ =	shalt  }
0x5a: {  	_ =	shalt  }
0x5b: {  	_ =	shalt  }
0x5c: {  	_ =	shalt  }
0x5d: {  	_ =	shalt  }
0x5e: {  	_ =	shalt  }
0x5f: {  	_ =	shalt  }
0x60: {  	_ =	shalt  }
0x61: {  	_ =	shalt  }
0x62: {  	_ =	shalt  }
0x63: {  	_ =	shalt  }
0x64: {  	_ =	shalt  }
0x65: {  	_ =	shalt  }
0x66: {  	_ =	shalt  }
0x67: {  	_ =	shalt  }
0x68: {  	_ =	shalt  }
0x69: {  	_ =	shalt  }
0x6a: {  	_ =	shalt  }
0x6b: {  	_ =	shalt  }
0x6c: {  	_ =	shalt  }
0x6d: {  	_ =	shalt  }
0x6e: {  	_ =	shalt  }
0x6f: {  	_ =	shalt  }
0x70: {  	_ =	shalt  }
0x71: {  	_ =	shalt  }
0x72: {  	_ =	shalt  }
0x73: {  	_ =	shalt  }
0x74: {  	_ =	shalt  }
0x75: {  	_ =	shalt  }
0x76: {  	_ =	shalt  }
0x77: {  	_ =	shalt  }
0x78: {  	_ =	shalt  }
0x79: {  	_ =	shalt  }
0x7a: {  	_ =	shalt  }
0x7b: {  	_ =	shalt  }
0x7c: {  	_ =	shalt  }
0x7d: {  	_ =	shalt  }
0x7e: {  	_ =	shalt  }
0x7f: {  	_ =	shalt  }
0x80: {  	_ =	shalt  }
0x81: {  	_ =	shalt  }
0x82: {  	_ =	shalt  }
0x83: {  	_ =	shalt  }
0x84: {  	_ =	shalt  }
0x85: {  	_ =	shalt  }
0x86: {  	_ =	shalt  }
0x87: {  	_ =	shalt  }
.Lfunc_end0:
.L_simem_size_0:
called_computation_lowered:
.L_overlay_start_0:
0x88: {  	s2 =	sld [smem:$0x3FD9]  }
0x89: {  	s3 =	sld [smem:$0x3FFE];
	_ =	sdelay $0x1  }
0x8a: {  	s1 =	srdreg.scid  }
0x8b: {  	s0 =	sand.u32 $0x1, s1  }
0x8c: {  	s17 =	sshll.u32 s0, $0xA;
	s2 =	sadd.s32 s3, s2  }
0x8d: {  	s2 =	sadd.s32 s2, s17  }
0x8e: {  	[smem:$0x3FC0] =	sst s2  }
0x8f: {  	_ = 	snop  }
0x90: {  	s2 =	sld [smem:$0x3FD0];
	(tm) =	ssettm $0x1  }
0x91: {  	s18 =	sld [smem:$0x3FFB];
	_ =	sdelay $0x3  }
0x92: {  	_ =	strace s18  }
0x93: {  	s3 =	sld [smem:$0x3FFC];
	_ =	sdelay $0x3  }
0x94: {  	_ =	strace s3  }
0x95: {  	s3 =	sld [smem:$0x3FFD];
	_ =	sdelay $0x3  }
0x96: {  	_ =	strace s3  }
0x97: {  	_ =	strace $0x8FFFFFFF  }
0x98: {  	s19 =	sld [smem:$0x3FDB];
	_ =	sdelay $0x1  }
0x99: {  	s4 =	simm.s32 $_scs_section_size  }
0x9a: {  	s5 =	simm.s32 $_size__tile_overlayer_lowered;
	s6 =	simm.s32 $_tile_overlayer_lowered  }
0x9b: {  	s22 =	simm.s32 $0x1BFF;
	s21 =	sshll.u32 s6, $0x1;
	s3 =	sadd.s32 s4, s19  }
0x9c: {  	s7 =	simm.s32 $0x0;
	s20 =	sshll.u32 s5, $0x1;
	s5 =	sadd.s32 s21, s3  }
0x9d: {  	[timem:s7], [sflag:s22] =	dma.local [hbm:s5], s20  }
0x9e: {  	_ =	swait.ge [sflag:s22], s20  }
0x9f: {  	s4 =	ssub.s32 $0x0, s20;
	[sflag:s22] =	ssyncset.done $0x0  }
0xa0: {  	[sflag:s22] =	ssyncadd.s32 s4;
	_ =	sdelay $0x1  }
0xa1: {  	s23 =	simm.s32 $0x1B8B  }
0xa2: {  	_ =	swait.ge [sflag:s23], $0x1  }
0xa3: {  	[sflag:s23] =	ssyncset.done $0x0  }
0xa4: {  	s25 =	simm.s32 $0x1B8E;
	s24 =	sld [smem:$0x3FFE];
	[sflag:s23] =	ssyncadd.s32 $0xFFFFFFFF  }
0xa5: {  	s26 =	simm.s32 $execute0_lowered;
	[smem:$0x3FD2] =	sst s25  }
0xa6: {  	s5 =	sshll.u32 s26, $0x1;
	_ =	strace $0x80000046;
	[dreg:$0x1] =	wrdreg $0xFFFFFFFF  }
0xa7: {  	s28 =	simm.s32 $_size_execute0_lowered;
	s3 =	sadd.s32 s3, s5;
	[dreg:$0x0] =	wrdreg $0x0  }
0xa8: {  	s5 =	sshll.u32 s28, $0x1;
	[dreg:$0x2] =	wrdreg s3  }
0xa9: {  	[dreg:$0x3] =	wrdreg s5  }
0xaa: {  	[dreg:$0x4] =	wrdreg $0xC0  }
0xab: {  	_ =	task [dreg:s7], $0x5FFFF  }
0xac: {  	[dreg:$0x1] =	wrdreg $0xFFFFFFFF  }
0xad: {  	[dreg:$0x0] =	wrdreg $0x60  }
0xae: {  	[dreg:$0x2] =	wrdreg s24  }
0xaf: {  	[dreg:$0x3] =	wrdreg s2  }
0xb0: {  	[dreg:$0x4] =	wrdreg $0x9  }
0xb1: {  	_ =	task.clear_ibuf [dreg:s7], $0x5FFFF;
	_ =	strace $0x90000046  }
0xb2: {  	s29 =	simm.s32 $0x9;
	_ =	strace $0x80000048  }
0xb3: {  	_ =	swait.ge [sflag:s29], $0x1  }
0xb4: {  	[sflag:s29] =	ssyncadd.s32 $0xFFFFFFFF  }
0xb5: {  	_ =	strace $0x90000048  }
0xb6: {  	_ =	sfence  }
0xb7: {  	s30 =	sld [smem:$0x0];
	_ =	sdelay $0x2  }
0xb8: {  	s31 =	sshll.u32 s1, $0xD;
	s1 =	sshrl.u32 s1, $0x2  }
0xb9: {  	s3 =	sand.u32 $0x4000, s31;
	s1 =	sadd.s32 s1, s30  }
0xba: {  	s0 =	sor.u32 s3, s0;
	s1 =	sshll.u32 s1, $0x11  }
0xbb: {  	s0 =	sor.u32 s1, s0  }
0xbc: {  	s0 =	sadd.s32 $0x8F2B, s0  }
0xbd: {  	[sflag:s0] =	ssyncadd.remote.s32 $0x1  }
0xbe: {  	_ =	sfence.sel $0xFFFF  }
0xbf: {  	[dreg:$0x0] =	wrdreg $0xFFFFFFFF;
	(pc) =	sbr.abs _section_cstart, $3  }
0xc0: {  	[dreg:$0x1] =	wrdreg $0xFFFFFFFF  }
0xc1: {  	_ =	task.clear_ibuf [dreg:s7], $0x2FFFF;
	_ =	strace $0x9FFFFFFF  }
0xc2: {  	(tm) =	ssettm $0x7FFFFFFF  }
0xc3: {  	_ =	shalt  }
tec
execute0_lowered:
.L_overlay_start_1:
0x0: {  	(tag) =	ssettag $0x1  }
0x1: {  	s0 =	srdreg.scid  }
0x2: {  	s1 =	stileid.u32;
	s3 =	rddreg [dreg:$0x0]  }
0x3: {  	s4 =	rddreg [dreg:$0x1];
	s2 =	simm.s32 $0x0;
	s28 =	simm.s32 $0x6  }
0x4: {  	s14 =	simm.s32 $0x80;
	s24 =	simm.s32 $0x100;
	s10 =	simm.s32 $0xA00  }
0x5: {  	s25 =	simm.s32 $0x180;
	s8 =	simm.s32 $0x4A00;
	s13 =	simm.s32 $0x1  }
0x6: {  	s26 =	simm.s32 $0x200;
	s30 =	simm.s32 $0x400;
	s31 =	simm.s32 $0x600  }
0x7: {  	s16 =	simm.s32 $0x800;
	s11 =	simm.s32 $0x2;
	s29 =	simm.s32 $0x880  }
0x8: {  	s9 =	simm.s32 $0x3;
	s17 =	simm.s32 $0x500;
	s18 =	simm.s32 $0x700  }
0x9: {  	s19 =	simm.s32 $0x900;
	p0 =	por $0x0, $0x0;
	s7 =	simm.s32 $0x4  }
0xa: {  	s20 =	simm.s32 $0x380;
	s0 =	sand.u32 $0x1, s0;
	[smem:$0x7FF] =	sst s2  }
0xb: {  	s1 =	sshll.u32 s1, $0x1;
	_ =	strace $0x80000047;
	[dreg:$0x7] =	wrdreg s24  }
0xc: {  	s12 =	sadd.s32 $0x2C00, s3;
	s1 =	sor.u32 s0, s1;
	[dreg:$0x8] =	wrdreg s25  }
0xd: {  	s0 =	ssub.s32 $0x2, s0;
	[dreg:$0x9] =	wrdreg s26;
	s24 =	simm.s32 $0x280  }
0xe: {  	s25 =	simm.s32 $0x480;
	s26 =	simm.s32 $0x680;
	s21 =	sshrl.u32 s0, $0x1  }
0xf: {  	s5 =	smul.u32 $0x140, s1;
	s1 =	sshll.u32 s1, $0xD;
	s0 =	ssub.s32 s0, s21  }
0x10: {  	s6 =	sadd.s32 s4, s1;
	s4 =	simm.s32 $0x8A00;
	s0 =	smax.u32 s0, $0x1  }
0x11: {  	s21 =	simm.s32 $0x580;
	s1 =	sadd.s32 $0x800, s6;
	p1 =	sne.s32 s0, $0x1  }
.Ltmp0:
0x12: {  	s22 =	sadd.s32 $0x1000, s6;
	[dreg:$0x4] =	wrdreg s1;
	(pc) =	sbr.rel @!p1 .LBB2_1-.Ltmp0, $4  }
0x13: {  	s5 =	sadd.s32 s5, s3;
	s23 =	sadd.s32 $0x1800, s6;
	[dreg:$0x5] =	wrdreg s22  }
0x14: {  	s3 =	simm.s32 $0xCA00;
	s5 =	sadd.s32 $0x400, s5;
	[dreg:$0x6] =	wrdreg s23  }
0x15: {  	s15 =	sadd.s32 $0xFFFFFFFF, s0;
	s22 =	simm.s32 $0x780;
	[dreg:$0x3] =	wrdreg s5  }
0x16: {  	s23 =	simm.s32 $0x980;
	s5 =	simm.s32 $0x5;
	s0 =	rddreg [dreg:$0x3]  }
0x17: {  	[tilespmem:s2], [sflag:$0x6] =	stream.linear.gather [hbm4b:s0+s2], $0xA00, $0x38;
	[tilespmem:$0x10A00] =	vst v63  }
0x18: {  	_ =	swait.ge [sflag:s28], $0xA00  }
0x19: {  	[sflag:s28] =	ssyncset.done $0x0  }
0x1a: {  	[sflag:s28] =	ssyncadd.s32 $0xFFFFF600  }
0x1b: {  	[tilespmem:s10], [sflag:$0x1] =	stream.indirect.gather [hbm4b:s12+s14], $0x80, s2, s14, $0xb8;
	[tilespmem:$0x10A00] =	vst v63  }
0x1c: {  	_ = 	snop  }
0x1d: {  	[tilespmem:s8], [sflag:$0x2] =	stream.indirect.gather [hbm4b:s12+s14], $0x80, s14, s14, $0xb8;
	[tilespmem:$0x10A00] =	vst v63  }
0x1e: {  	s0 =	rddreg [dreg:$0x7]  }
0x1f: {  	[tilespmem:s4], [sflag:$0x3] =	stream.indirect.gather [hbm4b:s12+s14], $0x80, s0, s14, $0xb8;
	[tilespmem:$0x10A00] =	vst v63  }
0x20: {  	s1 =	rddreg [dreg:$0x8]  }
0x21: {  	[tilespmem:s3], [sflag:$0x4] =	stream.indirect.gather [hbm4b:s12+s14], $0x80, s1, s14, $0xb8;
	[tilespmem:$0x10A00] =	vst v63  }
0x22: {  	_ =	swait.ge [sflag:s13], $0x4000  }
0x23: {  	[sflag:s13] =	ssyncset.done $0x0  }
0x24: {  	s1 =	rddreg [dreg:$0x9];
	[sflag:s13] =	ssyncadd.s32 $0xFFFFC000  }
0x25: {  	[tilespmem:s10], [sflag:$0x1] =	stream.indirect.gather.add.f32 [hbm:s12], $0x80, s1, s14, $0xb8;
	[tilespmem:$0x10A00] =	vst v63  }
0x26: {  	_ = 	snop  }
0x27: {  	[tilespmem:s10], [sflag:$0x1] =	stream.indirect.gather.add.f32 [hbm:s12], $0x80, s30, s14, $0xb8;
	[tilespmem:$0x10A00] =	vst v63  }
0x28: {  	_ = 	snop  }
0x29: {  	[tilespmem:s10], [sflag:$0x1] =	stream.indirect.gather.add.f32 [hbm:s12], $0x80, s31, s14, $0xb8;
	[tilespmem:$0x10A00] =	vst v63  }
0x2a: {  	_ = 	snop  }
0x2b: {  	[tilespmem:s10], [sflag:$0x1] =	stream.indirect.gather.add.f32 [hbm:s12], $0x80, s16, s14, $0xb8;
	[tilespmem:$0x10A00] =	vst v63  }
0x2c: {  	_ =	swait.ge [sflag:s11], $0x4000  }
0x2d: {  	[sflag:s11] =	ssyncset.done $0x0  }
0x2e: {  	[sflag:s11] =	ssyncadd.s32 $0xFFFFC000  }
0x2f: {  	[tilespmem:s8], [sflag:$0x2] =	stream.indirect.gather.add.f32 [hbm:s12], $0x80, s24, s14, $0xb8;
	[tilespmem:$0x10A00] =	vst v63  }
0x30: {  	_ = 	snop  }
0x31: {  	[tilespmem:s8], [sflag:$0x2] =	stream.indirect.gather.add.f32 [hbm:s12], $0x80, s25, s14, $0xb8;
	[tilespmem:$0x10A00] =	vst v63  }
0x32: {  	_ = 	snop  }
0x33: {  	[tilespmem:s8], [sflag:$0x2] =	stream.indirect.gather.add.f32 [hbm:s12], $0x80, s26, s14, $0xb8;
	[tilespmem:$0x10A00] =	vst v63  }
0x34: {  	_ = 	snop  }
0x35: {  	[tilespmem:s8], [sflag:$0x2] =	stream.indirect.gather.add.f32 [hbm:s12], $0x80, s29, s14, $0xb8;
	[tilespmem:$0x10A00] =	vst v63  }
0x36: {  	_ =	swait.ge [sflag:s9], $0x4000  }
0x37: {  	[sflag:s9] =	ssyncset.done $0x0  }
0x38: {  	s1 =	simm.s32 $0x300;
	[sflag:s9] =	ssyncadd.s32 $0xFFFFC000  }
0x39: {  	[tilespmem:s4], [sflag:$0x3] =	stream.indirect.gather.add.f32 [hbm:s12], $0x80, s1, s14, $0xb8;
	[tilespmem:$0x10A00] =	vst v63  }
0x3a: {  	_ = 	snop  }
0x3b: {  	[tilespmem:s4], [sflag:$0x3] =	stream.indirect.gather.add.f32 [hbm:s12], $0x80, s17, s14, $0xb8;
	[tilespmem:$0x10A00] =	vst v63  }
0x3c: {  	_ = 	snop  }
0x3d: {  	[tilespmem:s4], [sflag:$0x3] =	stream.indirect.gather.add.f32 [hbm:s12], $0x80, s18, s14, $0xb8;
	[tilespmem:$0x10A00] =	vst v63  }
0x3e: {  	_ = 	snop  }
0x3f: {  	[tilespmem:s4], [sflag:$0x3] =	stream.indirect.gather.add.f32 [hbm:s12], $0x80, s19, s14, $0xb8;
	[tilespmem:$0x10A00] =	vst v63  }
0x40: {  	_ =	swait.ge [sflag:s7], $0x4000  }
0x41: {  	[sflag:s7] =	ssyncset.done $0x0  }
0x42: {  	[sflag:s7] =	ssyncadd.s32 $0xFFFFC000  }
0x43: {  	[tilespmem:s3], [sflag:$0x4] =	stream.indirect.gather.add.f32 [hbm:s12], $0x80, s20, s14, $0xb8;
	[tilespmem:$0x10A00] =	vst v63  }
0x44: {  	_ = 	snop  }
0x45: {  	[tilespmem:s3], [sflag:$0x4] =	stream.indirect.gather.add.f32 [hbm:s12], $0x80, s21, s14, $0xb8;
	[tilespmem:$0x10A00] =	vst v63  }
0x46: {  	_ = 	snop  }
0x47: {  	[tilespmem:s3], [sflag:$0x4] =	stream.indirect.gather.add.f32 [hbm:s12], $0x80, s22, s14, $0xb8;
	[tilespmem:$0x10A00] =	vst v63  }
0x48: {  	_ = 	snop  }
0x49: {  	[tilespmem:s3], [sflag:$0x4] =	stream.indirect.gather.add.f32 [hbm:s12], $0x80, s23, s14, $0xb8;
	[tilespmem:$0x10A00] =	vst v63  }
0x4a: {  	_ =	swait.ge [sflag:s13], $0x4000  }
0x4b: {  	[sflag:s13] =	ssyncset.done $0x0  }
0x4c: {  	[sflag:s13] =	ssyncadd.s32 $0xFFFFC000  }
0x4d: {  	_ =	swait.ge [sflag:s13], $0x4000  }
0x4e: {  	[sflag:s13] =	ssyncset.done $0x0  }
0x4f: {  	[sflag:s13] =	ssyncadd.s32 $0xFFFFC000  }
0x50: {  	_ =	swait.ge [sflag:s13], $0x4000  }
0x51: {  	[sflag:s13] =	ssyncset.done $0x0  }
0x52: {  	[sflag:s13] =	ssyncadd.s32 $0xFFFFC000  }
0x53: {  	_ =	swait.ge [sflag:s13], $0x4000  }
0x54: {  	[sflag:s13] =	ssyncset.done $0x0  }
0x55: {  	[sflag:s13] =	ssyncadd.s32 $0xFFFFC000  }
0x56: {  	[hbm4b:s6+s2] =	stream.linear.scatter [tilespmem:s10], [sflag:$0x5], $0x4000, $0x38;
	[tilespmem:$0x10A00] =	vst v63  }
0x57: {  	_ =	swait.ge [sflag:s11], $0x4000  }
0x58: {  	[sflag:s11] =	ssyncset.done $0x0  }
0x59: {  	[sflag:s11] =	ssyncadd.s32 $0xFFFFC000  }
0x5a: {  	_ =	swait.ge [sflag:s11], $0x4000  }
0x5b: {  	[sflag:s11] =	ssyncset.done $0x0  }
0x5c: {  	[sflag:s11] =	ssyncadd.s32 $0xFFFFC000  }
0x5d: {  	_ =	swait.ge [sflag:s11], $0x4000  }
0x5e: {  	[sflag:s11] =	ssyncset.done $0x0  }
0x5f: {  	[sflag:s11] =	ssyncadd.s32 $0xFFFFC000  }
0x60: {  	_ =	swait.ge [sflag:s11], $0x4000  }
0x61: {  	[sflag:s11] =	ssyncset.done $0x0  }
0x62: {  	s1 =	rddreg [dreg:$0x4];
	[sflag:s11] =	ssyncadd.s32 $0xFFFFC000  }
0x63: {  	[hbm4b:s1+s2] =	stream.linear.scatter [tilespmem:s8], [sflag:$0x5], $0x4000, $0x38;
	[tilespmem:$0x10A00] =	vst v63  }
0x64: {  	_ =	swait.ge [sflag:s9], $0x4000  }
0x65: {  	[sflag:s9] =	ssyncset.done $0x0  }
0x66: {  	[sflag:s9] =	ssyncadd.s32 $0xFFFFC000  }
0x67: {  	_ =	swait.ge [sflag:s9], $0x4000  }
0x68: {  	[sflag:s9] =	ssyncset.done $0x0  }
0x69: {  	[sflag:s9] =	ssyncadd.s32 $0xFFFFC000  }
0x6a: {  	_ =	swait.ge [sflag:s9], $0x4000  }
0x6b: {  	[sflag:s9] =	ssyncset.done $0x0  }
0x6c: {  	[sflag:s9] =	ssyncadd.s32 $0xFFFFC000  }
0x6d: {  	_ =	swait.ge [sflag:s9], $0x4000  }
0x6e: {  	[sflag:s9] =	ssyncset.done $0x0  }
0x6f: {  	s1 =	rddreg [dreg:$0x5];
	[sflag:s9] =	ssyncadd.s32 $0xFFFFC000  }
0x70: {  	[hbm4b:s1+s2] =	stream.linear.scatter [tilespmem:s4], [sflag:$0x5], $0x4000, $0x38;
	[tilespmem:$0x10A00] =	vst v63  }
0x71: {  	_ =	swait.ge [sflag:s7], $0x4000  }
0x72: {  	[sflag:s7] =	ssyncset.done $0x0  }
0x73: {  	[sflag:s7] =	ssyncadd.s32 $0xFFFFC000  }
0x74: {  	_ =	swait.ge [sflag:s7], $0x4000  }
0x75: {  	[sflag:s7] =	ssyncset.done $0x0  }
0x76: {  	[sflag:s7] =	ssyncadd.s32 $0xFFFFC000  }
0x77: {  	_ =	swait.ge [sflag:s7], $0x4000  }
0x78: {  	[sflag:s7] =	ssyncset.done $0x0  }
0x79: {  	[sflag:s7] =	ssyncadd.s32 $0xFFFFC000  }
0x7a: {  	_ =	swait.ge [sflag:s7], $0x4000  }
0x7b: {  	[sflag:s7] =	ssyncset.done $0x0  }
0x7c: {  	s1 =	rddreg [dreg:$0x6];
	[sflag:s7] =	ssyncadd.s32 $0xFFFFC000  }
0x7d: {  	[hbm4b:s1+s2] =	stream.linear.scatter [tilespmem:s3], [sflag:$0x5], $0x4000, $0x38;
	[tilespmem:$0x10A00] =	vst v63  }
0x7e: {  	_ =	swait.ge [sflag:s5], $0x4000  }
0x7f: {  	[sflag:s5] =	ssyncset.done $0x0  }
0x80: {  	[sflag:s5] =	ssyncadd.s32 $0xFFFFC000  }
0x81: {  	_ =	swait.ge [sflag:s5], $0x4000  }
0x82: {  	[sflag:s5] =	ssyncset.done $0x0  }
0x83: {  	p1 =	sne.s32 s15, $0x1;
	[sflag:s5] =	ssyncadd.s32 $0xFFFFC000  }
.Ltmp1:
0x84: {  	_ =	swait.ge [sflag:s5], $0x4000;
	(pc) =	sbr.rel @!p1 .LBB2_3-.Ltmp1, $4  }
0x85: {  	[sflag:s5] =	ssyncset.done $0x0  }
0x86: {  	[sflag:s5] =	ssyncadd.s32 $0xFFFFC000  }
0x87: {  	p0 =	por $0x1, $0x1;
	_ =	swait.ge [sflag:s5], $0x4000  }
0x88: {  	s1 =	sadd.s32 $0xFFFFFFFF, s15;
	s0 =	rddreg [dreg:$0x3];
	[sflag:s5] =	ssyncset.done $0x0  }
.LBB2_4:
0x89: {  	[sflag:s5] =	ssyncadd.s32 $0xFFFFC000  }
0x8a: {  	[tilespmem:s2], [sflag:$0x6] =	stream.linear.gather [hbm4b:s0+s2], $0xA00, $0x38;
	[tilespmem:$0x10A00] =	vst v63  }
0x8b: {  	_ =	swait.ge [sflag:s28], $0xA00  }
0x8c: {  	[sflag:s28] =	ssyncset.done $0x0  }
0x8d: {  	[sflag:s28] =	ssyncadd.s32 $0xFFFFF600  }
0x8e: {  	[tilespmem:s10], [sflag:$0x1] =	stream.indirect.gather [hbm4b:s12+s14], $0x80, s2, s14, $0xb8;
	[tilespmem:$0x10A00] =	vst v63  }
0x8f: {  	_ = 	snop  }
0x90: {  	[tilespmem:s8], [sflag:$0x2] =	stream.indirect.gather [hbm4b:s12+s14], $0x80, s14, s14, $0xb8;
	[tilespmem:$0x10A00] =	vst v63  }
0x91: {  	s0 =	rddreg [dreg:$0x7]  }
0x92: {  	[tilespmem:s4], [sflag:$0x3] =	stream.indirect.gather [hbm4b:s12+s14], $0x80, s0, s14, $0xb8;
	[tilespmem:$0x10A00] =	vst v63  }
0x93: {  	s15 =	rddreg [dreg:$0x8]  }
0x94: {  	[tilespmem:s3], [sflag:$0x4] =	stream.indirect.gather [hbm4b:s12+s14], $0x80, s15, s14, $0xb8;
	[tilespmem:$0x10A00] =	vst v63  }
0x95: {  	_ =	swait.ge [sflag:s13], $0x4000  }
0x96: {  	[sflag:s13] =	ssyncset.done $0x0  }
0x97: {  	s15 =	rddreg [dreg:$0x9];
	[sflag:s13] =	ssyncadd.s32 $0xFFFFC000  }
0x98: {  	[tilespmem:s10], [sflag:$0x1] =	stream.indirect.gather.add.f32 [hbm:s12], $0x80, s15, s14, $0xb8;
	[tilespmem:$0x10A00] =	vst v63  }
0x99: {  	_ = 	snop  }
0x9a: {  	[tilespmem:s10], [sflag:$0x1] =	stream.indirect.gather.add.f32 [hbm:s12], $0x80, s30, s14, $0xb8;
	[tilespmem:$0x10A00] =	vst v63  }
0x9b: {  	_ = 	snop  }
0x9c: {  	[tilespmem:s10], [sflag:$0x1] =	stream.indirect.gather.add.f32 [hbm:s12], $0x80, s31, s14, $0xb8;
	[tilespmem:$0x10A00] =	vst v63  }
0x9d: {  	_ = 	snop  }
0x9e: {  	[tilespmem:s10], [sflag:$0x1] =	stream.indirect.gather.add.f32 [hbm:s12], $0x80, s16, s14, $0xb8;
	[tilespmem:$0x10A00] =	vst v63  }
0x9f: {  	_ =	swait.ge [sflag:s11], $0x4000  }
0xa0: {  	[sflag:s11] =	ssyncset.done $0x0  }
0xa1: {  	[sflag:s11] =	ssyncadd.s32 $0xFFFFC000  }
0xa2: {  	[tilespmem:s8], [sflag:$0x2] =	stream.indirect.gather.add.f32 [hbm:s12], $0x80, s24, s14, $0xb8;
	[tilespmem:$0x10A00] =	vst v63  }
0xa3: {  	_ = 	snop  }
0xa4: {  	[tilespmem:s8], [sflag:$0x2] =	stream.indirect.gather.add.f32 [hbm:s12], $0x80, s25, s14, $0xb8;
	[tilespmem:$0x10A00] =	vst v63  }
0xa5: {  	_ = 	snop  }
0xa6: {  	[tilespmem:s8], [sflag:$0x2] =	stream.indirect.gather.add.f32 [hbm:s12], $0x80, s26, s14, $0xb8;
	[tilespmem:$0x10A00] =	vst v63  }
0xa7: {  	_ = 	snop  }
0xa8: {  	[tilespmem:s8], [sflag:$0x2] =	stream.indirect.gather.add.f32 [hbm:s12], $0x80, s29, s14, $0xb8;
	[tilespmem:$0x10A00] =	vst v63  }
0xa9: {  	_ =	swait.ge [sflag:s9], $0x4000  }
0xaa: {  	[sflag:s9] =	ssyncset.done $0x0  }
0xab: {  	s15 =	simm.s32 $0x300;
	[sflag:s9] =	ssyncadd.s32 $0xFFFFC000  }
0xac: {  	[tilespmem:s4], [sflag:$0x3] =	stream.indirect.gather.add.f32 [hbm:s12], $0x80, s15, s14, $0xb8;
	[tilespmem:$0x10A00] =	vst v63  }
0xad: {  	_ = 	snop  }
0xae: {  	[tilespmem:s4], [sflag:$0x3] =	stream.indirect.gather.add.f32 [hbm:s12], $0x80, s17, s14, $0xb8;
	[tilespmem:$0x10A00] =	vst v63  }
0xaf: {  	_ = 	snop  }
0xb0: {  	[tilespmem:s4], [sflag:$0x3] =	stream.indirect.gather.add.f32 [hbm:s12], $0x80, s18, s14, $0xb8;
	[tilespmem:$0x10A00] =	vst v63  }
0xb1: {  	_ = 	snop  }
0xb2: {  	[tilespmem:s4], [sflag:$0x3] =	stream.indirect.gather.add.f32 [hbm:s12], $0x80, s19, s14, $0xb8;
	[tilespmem:$0x10A00] =	vst v63  }
0xb3: {  	_ =	swait.ge [sflag:s7], $0x4000  }
0xb4: {  	[sflag:s7] =	ssyncset.done $0x0  }
0xb5: {  	[sflag:s7] =	ssyncadd.s32 $0xFFFFC000  }
0xb6: {  	[tilespmem:s3], [sflag:$0x4] =	stream.indirect.gather.add.f32 [hbm:s12], $0x80, s20, s14, $0xb8;
	[tilespmem:$0x10A00] =	vst v63  }
0xb7: {  	_ = 	snop  }
0xb8: {  	[tilespmem:s3], [sflag:$0x4] =	stream.indirect.gather.add.f32 [hbm:s12], $0x80, s21, s14, $0xb8;
	[tilespmem:$0x10A00] =	vst v63  }
0xb9: {  	_ = 	snop  }
0xba: {  	[tilespmem:s3], [sflag:$0x4] =	stream.indirect.gather.add.f32 [hbm:s12], $0x80, s22, s14, $0xb8;
	[tilespmem:$0x10A00] =	vst v63  }
0xbb: {  	_ = 	snop  }
0xbc: {  	[tilespmem:s3], [sflag:$0x4] =	stream.indirect.gather.add.f32 [hbm:s12], $0x80, s23, s14, $0xb8;
	[tilespmem:$0x10A00] =	vst v63  }
0xbd: {  	_ =	swait.ge [sflag:s13], $0x4000  }
0xbe: {  	[sflag:s13] =	ssyncset.done $0x0  }
0xbf: {  	[sflag:s13] =	ssyncadd.s32 $0xFFFFC000  }
0xc0: {  	_ =	swait.ge [sflag:s13], $0x4000  }
0xc1: {  	[sflag:s13] =	ssyncset.done $0x0  }
0xc2: {  	[sflag:s13] =	ssyncadd.s32 $0xFFFFC000  }
0xc3: {  	_ =	swait.ge [sflag:s13], $0x4000  }
0xc4: {  	[sflag:s13] =	ssyncset.done $0x0  }
0xc5: {  	[sflag:s13] =	ssyncadd.s32 $0xFFFFC000  }
0xc6: {  	_ =	swait.ge [sflag:s13], $0x4000  }
0xc7: {  	[sflag:s13] =	ssyncset.done $0x0  }
0xc8: {  	[sflag:s13] =	ssyncadd.s32 $0xFFFFC000  }
0xc9: {  	[hbm4b:s6+s2] =	stream.linear.scatter [tilespmem:s10], [sflag:$0x5], $0x4000, $0x38;
	[tilespmem:$0x10A00] =	vst v63  }
0xca: {  	_ =	swait.ge [sflag:s11], $0x4000  }
0xcb: {  	[sflag:s11] =	ssyncset.done $0x0  }
0xcc: {  	[sflag:s11] =	ssyncadd.s32 $0xFFFFC000  }
0xcd: {  	_ =	swait.ge [sflag:s11], $0x4000  }
0xce: {  	[sflag:s11] =	ssyncset.done $0x0  }
0xcf: {  	[sflag:s11] =	ssyncadd.s32 $0xFFFFC000  }
0xd0: {  	_ =	swait.ge [sflag:s11], $0x4000  }
0xd1: {  	[sflag:s11] =	ssyncset.done $0x0  }
0xd2: {  	[sflag:s11] =	ssyncadd.s32 $0xFFFFC000  }
0xd3: {  	_ =	swait.ge [sflag:s11], $0x4000  }
0xd4: {  	[sflag:s11] =	ssyncset.done $0x0  }
0xd5: {  	s15 =	rddreg [dreg:$0x4];
	[sflag:s11] =	ssyncadd.s32 $0xFFFFC000  }
0xd6: {  	[hbm4b:s15+s2] =	stream.linear.scatter [tilespmem:s8], [sflag:$0x5], $0x4000, $0x38;
	[tilespmem:$0x10A00] =	vst v63  }
0xd7: {  	_ =	swait.ge [sflag:s9], $0x4000  }
0xd8: {  	[sflag:s9] =	ssyncset.done $0x0  }
0xd9: {  	[sflag:s9] =	ssyncadd.s32 $0xFFFFC000  }
0xda: {  	_ =	swait.ge [sflag:s9], $0x4000  }
0xdb: {  	[sflag:s9] =	ssyncset.done $0x0  }
0xdc: {  	[sflag:s9] =	ssyncadd.s32 $0xFFFFC000  }
0xdd: {  	_ =	swait.ge [sflag:s9], $0x4000  }
0xde: {  	[sflag:s9] =	ssyncset.done $0x0  }
0xdf: {  	[sflag:s9] =	ssyncadd.s32 $0xFFFFC000  }
0xe0: {  	_ =	swait.ge [sflag:s9], $0x4000  }
0xe1: {  	[sflag:s9] =	ssyncset.done $0x0  }
0xe2: {  	s15 =	rddreg [dreg:$0x5];
	[sflag:s9] =	ssyncadd.s32 $0xFFFFC000  }
0xe3: {  	[hbm4b:s15+s2] =	stream.linear.scatter [tilespmem:s4], [sflag:$0x5], $0x4000, $0x38;
	[tilespmem:$0x10A00] =	vst v63  }
0xe4: {  	_ =	swait.ge [sflag:s7], $0x4000  }
0xe5: {  	[sflag:s7] =	ssyncset.done $0x0  }
0xe6: {  	[sflag:s7] =	ssyncadd.s32 $0xFFFFC000  }
0xe7: {  	_ =	swait.ge [sflag:s7], $0x4000  }
0xe8: {  	[sflag:s7] =	ssyncset.done $0x0  }
0xe9: {  	[sflag:s7] =	ssyncadd.s32 $0xFFFFC000  }
0xea: {  	_ =	swait.ge [sflag:s7], $0x4000  }
0xeb: {  	[sflag:s7] =	ssyncset.done $0x0  }
0xec: {  	[sflag:s7] =	ssyncadd.s32 $0xFFFFC000  }
0xed: {  	_ =	swait.ge [sflag:s7], $0x4000  }
0xee: {  	[sflag:s7] =	ssyncset.done $0x0  }
0xef: {  	s15 =	rddreg [dreg:$0x6];
	[sflag:s7] =	ssyncadd.s32 $0xFFFFC000  }
0xf0: {  	[hbm4b:s15+s2] =	stream.linear.scatter [tilespmem:s3], [sflag:$0x5], $0x4000, $0x38;
	[tilespmem:$0x10A00] =	vst v63  }
0xf1: {  	_ =	swait.ge [sflag:s5], $0x4000  }
0xf2: {  	[sflag:s5] =	ssyncset.done $0x0  }
0xf3: {  	[sflag:s5] =	ssyncadd.s32 $0xFFFFC000  }
0xf4: {  	_ =	swait.ge [sflag:s5], $0x4000  }
0xf5: {  	[sflag:s5] =	ssyncset.done $0x0  }
0xf6: {  	p1 =	sne.s32 s1, $0x1;
	[sflag:s5] =	ssyncadd.s32 $0xFFFFC000  }
.Ltmp2:
0xf7: {  	_ =	swait.ge [sflag:s5], $0x4000;
	(pc) =	sbr.rel @p1 .LBB2_4-.Ltmp2, $4  }
0xf8: {  	[sflag:s5] =	ssyncset.done $0x0  }
0xf9: {  	[sflag:s5] =	ssyncadd.s32 $0xFFFFC000  }
0xfa: {  	_ =	swait.ge [sflag:s5], $0x4000  }
0xfb: {  	s1 =	sadd.s32 $0xFFFFFFFF, s1;
	s0 =	rddreg [dreg:$0x3];
	[sflag:s5] =	ssyncset.done $0x0  }
0xfc: {  	s15 =	simm.s32 $0x800;
	s31 =	simm.s32 $0x600;
	s30 =	simm.s32 $0x400  }
0xfd: {  	s29 =	simm.s32 $0x880;
	s26 =	simm.s32 $0x680;
	s25 =	simm.s32 $0x480  }
0xfe: {  	s24 =	simm.s32 $0x280;
	s23 =	simm.s32 $0x980;
	s22 =	simm.s32 $0x780  }
0xff: {  	s21 =	simm.s32 $0x580;
	s20 =	simm.s32 $0x380;
	s19 =	simm.s32 $0x900  }
0x100: {  	s18 =	simm.s32 $0x700;
	s17 =	simm.s32 $0x500;
	s16 =	simm.s32 $0x300  }
.LBB2_6:
0x101: {  	[sflag:s5] =	ssyncadd.s32 @p0 $0xFFFFC000  }
0x102: {  	[tilespmem:s2], [sflag:$0x6] =	stream.linear.gather [hbm4b:s0+s2], $0xA00, $0x38;
	[tilespmem:$0x10A00] =	vst v63  }
0x103: {  	_ =	swait.ge [sflag:s28], $0xA00  }
0x104: {  	[sflag:s28] =	ssyncset.done $0x0  }
0x105: {  	[sflag:s28] =	ssyncadd.s32 $0xFFFFF600  }
0x106: {  	[tilespmem:s10], [sflag:$0x1] =	stream.indirect.gather [hbm4b:s12+s14], $0x80, s2, s14, $0xb8;
	[tilespmem:$0x10A00] =	vst v63  }
0x107: {  	_ = 	snop  }
0x108: {  	[tilespmem:s8], [sflag:$0x2] =	stream.indirect.gather [hbm4b:s12+s14], $0x80, s14, s14, $0xb8;
	[tilespmem:$0x10A00] =	vst v63  }
0x109: {  	s28 =	rddreg [dreg:$0x7]  }
0x10a: {  	[tilespmem:s4], [sflag:$0x3] =	stream.indirect.gather [hbm4b:s12+s14], $0x80, s28, s14, $0xb8;
	[tilespmem:$0x10A00] =	vst v63  }
0x10b: {  	s1 =	rddreg [dreg:$0x8]  }
0x10c: {  	[tilespmem:s3], [sflag:$0x4] =	stream.indirect.gather [hbm4b:s12+s14], $0x80, s1, s14, $0xb8;
	[tilespmem:$0x10A00] =	vst v63  }
0x10d: {  	_ =	swait.ge [sflag:s13], $0x4000  }
0x10e: {  	[sflag:s13] =	ssyncset.done $0x0  }
0x10f: {  	s1 =	rddreg [dreg:$0x9];
	[sflag:s13] =	ssyncadd.s32 $0xFFFFC000  }
0x110: {  	[tilespmem:s10], [sflag:$0x1] =	stream.indirect.gather.add.f32 [hbm:s12], $0x80, s1, s14, $0xb8;
	[tilespmem:$0x10A00] =	vst v63  }
0x111: {  	_ = 	snop  }
0x112: {  	[tilespmem:s10], [sflag:$0x1] =	stream.indirect.gather.add.f32 [hbm:s12], $0x80, s30, s14, $0xb8;
	[tilespmem:$0x10A00] =	vst v63  }
0x113: {  	_ = 	snop  }
0x114: {  	[tilespmem:s10], [sflag:$0x1] =	stream.indirect.gather.add.f32 [hbm:s12], $0x80, s31, s14, $0xb8;
	[tilespmem:$0x10A00] =	vst v63  }
0x115: {  	_ = 	snop  }
0x116: {  	[tilespmem:s10], [sflag:$0x1] =	stream.indirect.gather.add.f32 [hbm:s12], $0x80, s15, s14, $0xb8;
	[tilespmem:$0x10A00] =	vst v63  }
0x117: {  	_ =	swait.ge [sflag:s11], $0x4000  }
0x118: {  	[sflag:s11] =	ssyncset.done $0x0  }
0x119: {  	[sflag:s11] =	ssyncadd.s32 $0xFFFFC000  }
0x11a: {  	[tilespmem:s8], [sflag:$0x2] =	stream.indirect.gather.add.f32 [hbm:s12], $0x80, s24, s14, $0xb8;
	[tilespmem:$0x10A00] =	vst v63  }
0x11b: {  	_ = 	snop  }
0x11c: {  	[tilespmem:s8], [sflag:$0x2] =	stream.indirect.gather.add.f32 [hbm:s12], $0x80, s25, s14, $0xb8;
	[tilespmem:$0x10A00] =	vst v63  }
0x11d: {  	_ = 	snop  }
0x11e: {  	[tilespmem:s8], [sflag:$0x2] =	stream.indirect.gather.add.f32 [hbm:s12], $0x80, s26, s14, $0xb8;
	[tilespmem:$0x10A00] =	vst v63  }
0x11f: {  	_ = 	snop  }
0x120: {  	[tilespmem:s8], [sflag:$0x2] =	stream.indirect.gather.add.f32 [hbm:s12], $0x80, s29, s14, $0xb8;
	[tilespmem:$0x10A00] =	vst v63  }
0x121: {  	_ =	swait.ge [sflag:s9], $0x4000  }
0x122: {  	[sflag:s9] =	ssyncset.done $0x0  }
0x123: {  	[sflag:s9] =	ssyncadd.s32 $0xFFFFC000  }
0x124: {  	[tilespmem:s4], [sflag:$0x3] =	stream.indirect.gather.add.f32 [hbm:s12], $0x80, s16, s14, $0xb8;
	[tilespmem:$0x10A00] =	vst v63  }
0x125: {  	_ = 	snop  }
0x126: {  	[tilespmem:s4], [sflag:$0x3] =	stream.indirect.gather.add.f32 [hbm:s12], $0x80, s17, s14, $0xb8;
	[tilespmem:$0x10A00] =	vst v63  }
0x127: {  	_ = 	snop  }
0x128: {  	[tilespmem:s4], [sflag:$0x3] =	stream.indirect.gather.add.f32 [hbm:s12], $0x80, s18, s14, $0xb8;
	[tilespmem:$0x10A00] =	vst v63  }
0x129: {  	_ = 	snop  }
0x12a: {  	[tilespmem:s4], [sflag:$0x3] =	stream.indirect.gather.add.f32 [hbm:s12], $0x80, s19, s14, $0xb8;
	[tilespmem:$0x10A00] =	vst v63  }
0x12b: {  	_ =	swait.ge [sflag:s7], $0x4000  }
0x12c: {  	[sflag:s7] =	ssyncset.done $0x0  }
0x12d: {  	[sflag:s7] =	ssyncadd.s32 $0xFFFFC000  }
0x12e: {  	[tilespmem:s3], [sflag:$0x4] =	stream.indirect.gather.add.f32 [hbm:s12], $0x80, s20, s14, $0xb8;
	[tilespmem:$0x10A00] =	vst v63  }
0x12f: {  	_ = 	snop  }
0x130: {  	[tilespmem:s3], [sflag:$0x4] =	stream.indirect.gather.add.f32 [hbm:s12], $0x80, s21, s14, $0xb8;
	[tilespmem:$0x10A00] =	vst v63  }
0x131: {  	_ = 	snop  }
0x132: {  	[tilespmem:s3], [sflag:$0x4] =	stream.indirect.gather.add.f32 [hbm:s12], $0x80, s22, s14, $0xb8;
	[tilespmem:$0x10A00] =	vst v63  }
0x133: {  	_ = 	snop  }
0x134: {  	[tilespmem:s3], [sflag:$0x4] =	stream.indirect.gather.add.f32 [hbm:s12], $0x80, s23, s14, $0xb8;
	[tilespmem:$0x10A00] =	vst v63  }
0x135: {  	_ =	swait.ge [sflag:s13], $0x4000  }
0x136: {  	[sflag:s13] =	ssyncset.done $0x0  }
0x137: {  	[sflag:s13] =	ssyncadd.s32 $0xFFFFC000  }
0x138: {  	_ =	swait.ge [sflag:s13], $0x4000  }
0x139: {  	[sflag:s13] =	ssyncset.done $0x0  }
0x13a: {  	[sflag:s13] =	ssyncadd.s32 $0xFFFFC000  }
0x13b: {  	_ =	swait.ge [sflag:s13], $0x4000  }
0x13c: {  	[sflag:s13] =	ssyncset.done $0x0  }
0x13d: {  	[sflag:s13] =	ssyncadd.s32 $0xFFFFC000  }
0x13e: {  	_ =	swait.ge [sflag:s13], $0x4000  }
0x13f: {  	[sflag:s13] =	ssyncset.done $0x0  }
0x140: {  	[sflag:s13] =	ssyncadd.s32 $0xFFFFC000  }
0x141: {  	[hbm4b:s6+s2] =	stream.linear.scatter [tilespmem:s10], [sflag:$0x5], $0x4000, $0x38;
	[tilespmem:$0x10A00] =	vst v63  }
0x142: {  	_ =	swait.ge [sflag:s11], $0x4000  }
0x143: {  	[sflag:s11] =	ssyncset.done $0x0  }
0x144: {  	[sflag:s11] =	ssyncadd.s32 $0xFFFFC000  }
0x145: {  	_ =	swait.ge [sflag:s11], $0x4000  }
0x146: {  	[sflag:s11] =	ssyncset.done $0x0  }
0x147: {  	[sflag:s11] =	ssyncadd.s32 $0xFFFFC000  }
0x148: {  	_ =	swait.ge [sflag:s11], $0x4000  }
0x149: {  	[sflag:s11] =	ssyncset.done $0x0  }
0x14a: {  	[sflag:s11] =	ssyncadd.s32 $0xFFFFC000  }
0x14b: {  	_ =	swait.ge [sflag:s11], $0x4000  }
0x14c: {  	[sflag:s11] =	ssyncset.done $0x0  }
0x14d: {  	s28 =	rddreg [dreg:$0x4];
	[sflag:s11] =	ssyncadd.s32 $0xFFFFC000  }
0x14e: {  	[hbm4b:s28+s2] =	stream.linear.scatter [tilespmem:s8], [sflag:$0x5], $0x4000, $0x38;
	[tilespmem:$0x10A00] =	vst v63  }
0x14f: {  	_ =	swait.ge [sflag:s9], $0x4000  }
0x150: {  	[sflag:s9] =	ssyncset.done $0x0  }
0x151: {  	[sflag:s9] =	ssyncadd.s32 $0xFFFFC000  }
0x152: {  	_ =	swait.ge [sflag:s9], $0x4000  }
0x153: {  	[sflag:s9] =	ssyncset.done $0x0  }
0x154: {  	[sflag:s9] =	ssyncadd.s32 $0xFFFFC000  }
0x155: {  	_ =	swait.ge [sflag:s9], $0x4000  }
0x156: {  	[sflag:s9] =	ssyncset.done $0x0  }
0x157: {  	[sflag:s9] =	ssyncadd.s32 $0xFFFFC000  }
0x158: {  	_ =	swait.ge [sflag:s9], $0x4000  }
0x159: {  	[sflag:s9] =	ssyncset.done $0x0  }
0x15a: {  	s29 =	rddreg [dreg:$0x5];
	[sflag:s9] =	ssyncadd.s32 $0xFFFFC000  }
0x15b: {  	[hbm4b:s29+s2] =	stream.linear.scatter [tilespmem:s4], [sflag:$0x5], $0x4000, $0x38;
	[tilespmem:$0x10A00] =	vst v63  }
0x15c: {  	_ =	swait.ge [sflag:s7], $0x4000  }
0x15d: {  	[sflag:s7] =	ssyncset.done $0x0  }
0x15e: {  	[sflag:s7] =	ssyncadd.s32 $0xFFFFC000  }
0x15f: {  	_ =	swait.ge [sflag:s7], $0x4000  }
0x160: {  	[sflag:s7] =	ssyncset.done $0x0  }
0x161: {  	[sflag:s7] =	ssyncadd.s32 $0xFFFFC000  }
0x162: {  	_ =	swait.ge [sflag:s7], $0x4000  }
0x163: {  	[sflag:s7] =	ssyncset.done $0x0  }
0x164: {  	[sflag:s7] =	ssyncadd.s32 $0xFFFFC000  }
0x165: {  	_ =	swait.ge [sflag:s7], $0x4000  }
0x166: {  	[sflag:s7] =	ssyncset.done $0x0  }
0x167: {  	s30 =	rddreg [dreg:$0x6];
	[sflag:s7] =	ssyncadd.s32 $0xFFFFC000  }
0x168: {  	[hbm4b:s30+s2] =	stream.linear.scatter [tilespmem:s3], [sflag:$0x5], $0x4000, $0x38;
	[tilespmem:$0x10A00] =	vst v63  }
0x169: {  	_ =	swait.ge [sflag:s5], $0x4000  }
0x16a: {  	[sflag:s5] =	ssyncset.done $0x0  }
0x16b: {  	[sflag:s5] =	ssyncadd.s32 $0xFFFFC000  }
0x16c: {  	_ =	swait.ge [sflag:s5], $0x4000  }
0x16d: {  	[sflag:s5] =	ssyncset.done $0x0  }
0x16e: {  	[sflag:s5] =	ssyncadd.s32 $0xFFFFC000  }
0x16f: {  	_ =	swait.ge [sflag:s5], $0x4000  }
0x170: {  	[sflag:s5] =	ssyncset.done $0x0  }
0x171: {  	[sflag:s5] =	ssyncadd.s32 $0xFFFFC000  }
0x172: {  	_ =	swait.ge [sflag:s5], $0x4000  }
0x173: {  	[sflag:s5] =	ssyncset.done $0x0  }
0x174: {  	[sflag:s5] =	ssyncadd.s32 $0xFFFFC000  }
0x175: {  	_ =	sfence.sel $0x180000  }
0x176: {  	[bflag:$0x0] =	sbarrier.arrive $0xFFFF  }
0x177: {  	_ =	strace $0x90000047  }
0x178: {  	s31 =	stileid.u32;
	[bflag:$0x2] =	sbarrier.arrive $0xFFFF  }
0x179: {  	p0 =	sne.s32 s31, $0x0;
	s0 =	rddreg [dreg:$0x2]  }
0x17a: {  	s0 =	sadd.s32 @!p0 $0x100000, s0  }
0x17b: {  	[sflag:s0] =	ssyncadd.tile.s32 @!p0 $0x1;
	_ =	shalt  }
.LBB2_1:
0x17c: {  	s15 =	simm.s32 $0x800  }
.Ltmp3:
0x17d: {  	s31 =	simm.s32 $0x600;
	s30 =	simm.s32 $0x400;
	(pc) =	sbr.rel .LBB2_6-.Ltmp3, $4  }
0x17e: {  	s29 =	simm.s32 $0x880;
	s26 =	simm.s32 $0x680;
	s25 =	simm.s32 $0x480  }
0x17f: {  	s24 =	simm.s32 $0x280;
	s23 =	simm.s32 $0x980;
	s22 =	simm.s32 $0x780  }
0x180: {  	s21 =	simm.s32 $0x580;
	s20 =	simm.s32 $0x380;
	s19 =	simm.s32 $0x900  }
0x181: {  	s18 =	simm.s32 $0x700;
	s17 =	simm.s32 $0x500;
	s16 =	simm.s32 $0x300  }
.LBB2_3:
0x182: {  	s15 =	simm.s32 $0x800  }
.Ltmp4:
0x183: {  	s31 =	simm.s32 $0x600;
	s30 =	simm.s32 $0x400;
	(pc) =	sbr.rel .LBB2_6-.Ltmp4, $4  }
0x184: {  	s29 =	simm.s32 $0x880;
	s26 =	simm.s32 $0x680;
	s25 =	simm.s32 $0x480  }
0x185: {  	s24 =	simm.s32 $0x280;
	s23 =	simm.s32 $0x980;
	s22 =	simm.s32 $0x780  }
0x186: {  	s21 =	simm.s32 $0x580;
	s20 =	simm.s32 $0x380;
	s19 =	simm.s32 $0x900  }
0x187: {  	s18 =	simm.s32 $0x700;
	s17 =	simm.s32 $0x500;
	s16 =	simm.s32 $0x300  }
.Lfunc_end2:
_tile_overlayer_lowered:
.L_overlay_start_2:
0x188: {  	(tag) =	ssettag $0x2  }
0x189: {  	s0 =	rddreg [dreg:$0x0];
	s2 =	stileid.u32  }
0x18a: {  	s1 =	rddreg [dreg:$0x1];
	p0 =	sne.s32 s2, $0x0  }
0x18b: {  	s3 =	rddreg [dreg:$0x2];
	[bflag:$0x3] =	sbarrier.arrive $0xFFFF;
	s2 =	simm.s32 @!p0 $0x1C06  }
0x18c: {  	[timem:s3], [sflag:s2] =	dma.local @!p0 [hbm:s0], s1  }
0x18d: {  	s0 =	simm.s32 @!p0 $0x6  }
0x18e: {  	_ =	swait.ge @!p0 [sflag:s0], s1  }
0x18f: {  	s1 =	ssub.s32 @!p0 $0x0, s1;
	[sflag:s0] =	ssyncset.done @!p0 $0x0  }
0x190: {  	[sflag:s0] =	ssyncadd.s32 @!p0 s1  }
0x191: {  	[bflag:$0x3] =	sbarrier.arrive $0xFFFF  }
0x192: {  	_ =	shalt  }

</sc_bundles>
